<compile_context>
chip_gen: v7x
topology: tpu7x:2x2x1
jax: 0.10.2.dev20260603
libtpu: 0.0.44.dev20260713+nightly
codegen_flags: <defaults>
</compile_context>

<pallas_src>
import jax
import jax.numpy as jnp
from jax import lax
from jax.experimental import pallas as pl
from jax.experimental.pallas import tpu as pltpu
from jax.experimental.pallas import tpu_sc as plsc

N = 10000
E = 320000
D = 128
H = 64

NC = 2
NS = 16
NW = NC * NS
EW = E // NW
C = 125
NCH = EW // C
NPAD = 10000
RT = NPAD // NS
CW = 8
G = 20


def _make_sc_segment_sum(with_counts: bool):
  mesh = plsc.VectorSubcoreMesh(core_axis_name="c", subcore_axis_name="s")

  out_type = [
      jax.ShapeDtypeStruct((NC * NPAD, H), jnp.float32),
      jax.ShapeDtypeStruct((NC * NPAD, H), jnp.float32),
  ]
  scratch = [
      pltpu.VMEM((G, C), jnp.int32),
      pltpu.VMEM((G, C), jnp.int32),
      pltpu.VMEM((C, H), jnp.float32),
      pltpu.VMEM((C, H), jnp.float32),
      pltpu.VMEM((C, H), jnp.float32),
      pltpu.VMEM((C, H), jnp.float32),
      pltpu.VMEM_SHARED((NPAD, H), jnp.float32),
      pltpu.VMEM_SHARED((NPAD, H), jnp.float32),
      pltpu.SemaphoreType.DMA,
      pltpu.SemaphoreType.DMA,
      pltpu.SemaphoreType.DMA,
      pltpu.SemaphoreType.DMA,
      pltpu.SemaphoreType.DMA,
      pltpu.SemaphoreType.DMA,
  ]
  if with_counts:
    out_type += [
        jax.ShapeDtypeStruct((NC * NPAD, CW), jnp.float32),
    ]
    scratch += [
        pltpu.VMEM((C, CW), jnp.float32),
        pltpu.VMEM((C, CW), jnp.float32),
        pltpu.VMEM_SHARED((NPAD, CW), jnp.float32),
    ]

  def body(u_f, u_b, src3, dst3, z64, z16, ones16, *rest):
    if with_counts:
      (s_f_out, s_b_out, c_out,
       idx_s, idx_d, buf_fa, buf_ba, buf_fb, buf_bb, acc_f, acc_b,
       sem_fa, sem_ba, sem_fb, sem_bb, sem_sa, sem_sb,
       oned_v, ones_v, acc_c) = rest
    else:
      (s_f_out, s_b_out,
       idx_s, idx_d, buf_fa, buf_ba, buf_fb, buf_bb, acc_f, acc_b,
       sem_fa, sem_ba, sem_fb, sem_bb, sem_sa, sem_sb) = rest

    cid = lax.axis_index("c")
    sid = lax.axis_index("s")
    wid = sid * NC + cid
    base = sid * RT

    pltpu.sync_copy(z64, acc_f.at[pl.ds(base, RT)])
    pltpu.sync_copy(z64, acc_b.at[pl.ds(base, RT)])
    if with_counts:
      pltpu.sync_copy(z16, acc_c.at[pl.ds(base, RT)])
      pltpu.sync_copy(ones16.at[0], oned_v)
      pltpu.sync_copy(ones16.at[1], ones_v)
    plsc.subcore_barrier()

    def issue(j, buf_f, buf_b, sem_f, sem_b):
      df = pltpu.async_copy(u_f.at[idx_s.at[j]], buf_f, sem_f)
      db = pltpu.async_copy(u_b.at[idx_d.at[j]], buf_b, sem_b)
      return df, db

    def scatter_async(j, buf_f, buf_b, ssem):
      out = [pltpu.async_copy(buf_f, acc_f.at[idx_d.at[j]], ssem, add=True),
             pltpu.async_copy(buf_b, acc_b.at[idx_s.at[j]], ssem, add=True)]
      if with_counts:
        out.append(
            pltpu.async_copy(oned_v, acc_c.at[idx_d.at[j]], ssem, add=True))
        out.append(
            pltpu.async_copy(ones_v, acc_c.at[idx_s.at[j]], ssem, add=True))
      return out

    def superchunk(g, carry):
      pltpu.sync_copy(src3.at[wid, pl.ds(g * G, G)], idx_s)
      pltpu.sync_copy(dst3.at[wid, pl.ds(g * G, G)], idx_d)

      def wait_gather(j, buf_f, buf_b, sem_f, sem_b):
        pltpu.make_async_copy(u_f.at[idx_s.at[j]], buf_f, sem_f).wait()
        pltpu.make_async_copy(u_b.at[idx_d.at[j]], buf_b, sem_b).wait()

      issue(0, buf_fa, buf_ba, sem_fa, sem_ba)

      def pair(k, c2):
        j0 = 2 * k
        j1 = j0 + 1
        db = issue(j1, buf_fb, buf_bb, sem_fb, sem_bb)
        wait_gather(j0, buf_fa, buf_ba, sem_fa, sem_ba)
        sa = scatter_async(j0, buf_fa, buf_ba, sem_sa)
        db[0].wait()
        db[1].wait()
        sb = scatter_async(j1, buf_fb, buf_bb, sem_sb)
        for d in sa:
          d.wait()

        @pl.when(k + 1 < G // 2)
        def _():
          issue(j0 + 2, buf_fa, buf_ba, sem_fa, sem_ba)

        for d in sb:
          d.wait()
        return c2

      lax.fori_loop(0, G // 2, pair, 0)
      return carry

    lax.fori_loop(0, NCH // G, superchunk, 0)
    plsc.subcore_barrier()

    obase = cid * NPAD + base
    pltpu.sync_copy(acc_f.at[pl.ds(base, RT)], s_f_out.at[pl.ds(obase, RT)])
    pltpu.sync_copy(acc_b.at[pl.ds(base, RT)], s_b_out.at[pl.ds(obase, RT)])
    if with_counts:
      pltpu.sync_copy(acc_c.at[pl.ds(base, RT)], c_out.at[pl.ds(obase, RT)])

  return pl.kernel(
      body, out_type=out_type, mesh=mesh, scratch_types=scratch,
      compiler_params=pltpu.CompilerParams(use_tc_tiling_on_sc=False))


_sc_layer1 = _make_sc_segment_sum(with_counts=True)
_sc_layer2 = _make_sc_segment_sum(with_counts=False)


def _tc_pre(x_ref, wlf, wlb, wrf, wrb, blf, blb, uf_ref, ub_ref, r_ref):
  xx = x_ref[...]
  uf_ref[...] = jnp.dot(xx, wlf[...], preferred_element_type=jnp.float32)
  ub_ref[...] = jnp.dot(xx, wlb[...], preferred_element_type=jnp.float32)
  r_ref[...] = (
      jnp.dot(xx, wrf[...] + wrb[...], preferred_element_type=jnp.float32)
      + blf[...] + blb[...])


BS = 1000
NB = N // BS


def _pre_block(sf0, sf1, sb0, sb1, cnt0, cnt1, r_ref):
  cd = cnt0[:, 0:1] + cnt1[:, 0:1]
  cs = cnt0[:, 1:2] + cnt1[:, 1:2]
  return ((sf0[...] + sf1[...]) / jnp.maximum(cd, 1.0)
          + (sb0[...] + sb1[...]) / jnp.maximum(cs, 1.0) + r_ref[...])


def _tc_mid(sf0, sf1, sb0, sb1, cnt0, cnt1, r_ref, g_ref, be_ref,
            wlf, wlb, wrf, wrb, blf, blb, uf_ref, ub_ref, r2_ref,
            pre_scr, st_scr):
  p = pl.program_id(0)
  b = pl.program_id(1)

  @pl.when(p == 0)
  def _():
    pre = _pre_block(sf0, sf1, sb0, sb1, cnt0, cnt1, r_ref)
    pre_scr[pl.ds(b * BS, BS), :] = pre

    @pl.when(b == 0)
    def _():
      st_scr[...] = jnp.zeros((2, H), jnp.float32)
    st_scr[0:1, :] += jnp.sum(pre, axis=0)[None, :]
    st_scr[1:2, :] += jnp.sum(pre * pre, axis=0)[None, :]

  @pl.when(p == 1)
  def _():
    m = st_scr[0:1, :] / N
    v = st_scr[1:2, :] / N - m * m
    pre = pre_scr[pl.ds(b * BS, BS), :]
    h = jnp.maximum(
        (pre - m) / jnp.sqrt(v + 1e-5) * g_ref[...] + be_ref[...], 0.0)
    uf_ref[...] = jnp.dot(h, wlf[...], preferred_element_type=jnp.float32)
    ub_ref[...] = jnp.dot(h, wlb[...], preferred_element_type=jnp.float32)
    r2_ref[...] = (
        jnp.dot(h, wrf[...] + wrb[...], preferred_element_type=jnp.float32)
        + blf[...] + blb[...])


def _tc_final(sf_ref, sb_ref, cnt_ref, r_ref, g_ref, be_ref, out_ref):
  cd = cnt_ref[0:N, 0:1] + cnt_ref[NPAD:NPAD + N, 0:1]
  cs = cnt_ref[0:N, 1:2] + cnt_ref[NPAD:NPAD + N, 1:2]
  s_f = sf_ref[0:N, :] + sf_ref[NPAD:NPAD + N, :]
  s_b = sb_ref[0:N, :] + sb_ref[NPAD:NPAD + N, :]
  pre = (s_f / jnp.maximum(cd, 1.0) + s_b / jnp.maximum(cs, 1.0) + r_ref[...])
  m = jnp.mean(pre, axis=0)
  v = jnp.mean((pre - m[None, :]) ** 2, axis=0)
  hb = ((pre - m[None, :]) / jnp.sqrt(v[None, :] + 1e-5) * g_ref[...]
        + be_ref[...])
  out_ref[...] = jnp.max(jnp.maximum(hb, 0.0), axis=0)[None, :]


def kernel(x, edge_index, Wl_f1, bl_f1, Wr_f1, Wl_b1, bl_b1, Wr_b1,
           Wl_f2, bl_f2, Wr_f2, Wl_b2, bl_b2, Wr_b2, g1, be1, g2, be2):
  src3 = edge_index[0].reshape(NW, NCH, C)
  dst3 = edge_index[1].reshape(NW, NCH, C)
  z64 = jnp.zeros((RT, H), jnp.float32)
  z16 = jnp.zeros((RT, CW), jnp.float32)
  eye2 = jnp.concatenate([jnp.eye(2, CW, dtype=jnp.float32)] * C, axis=0)
  ones16 = eye2.reshape(C, 2, CW).transpose(1, 0, 2)

  nh = jax.ShapeDtypeStruct((N, H), jnp.float32)
  u_f1, u_b1, r1 = pl.pallas_call(
      _tc_pre, out_shape=[nh, nh, nh])(x, Wl_f1, Wl_b1, Wr_f1, Wr_b1,
                                       bl_f1, bl_b1)

  sf1, sb1, cnt = _sc_layer1(u_f1, u_b1, src3, dst3, z64, z16, ones16)

  row_blk = pl.BlockSpec((BS, H), lambda p, b: (b, 0))
  hi_blk = pl.BlockSpec((BS, H), lambda p, b: (b + NB, 0))
  cnt_blk = pl.BlockSpec((BS, CW), lambda p, b: (b, 0))
  cnt_hi = pl.BlockSpec((BS, CW), lambda p, b: (b + NB, 0))
  full = lambda s: pl.BlockSpec(s, lambda p, b: (0, 0))
  u_f2, u_b2, r2 = pl.pallas_call(
      _tc_mid,
      grid=(2, NB),
      in_specs=[row_blk, hi_blk, row_blk, hi_blk, cnt_blk, cnt_hi, row_blk,
                full((1, H)), full((1, H)),
                full((H, H)), full((H, H)), full((H, H)), full((H, H)),
                full((1, H)), full((1, H))],
      out_specs=[row_blk, row_blk, row_blk],
      out_shape=[nh, nh, nh],
      scratch_shapes=[pltpu.VMEM((N, H), jnp.float32),
                      pltpu.VMEM((2, H), jnp.float32)],
  )(sf1, sf1, sb1, sb1, cnt, cnt, r1, g1.reshape(1, H), be1.reshape(1, H),
    Wl_f2, Wl_b2, Wr_f2, Wr_b2, bl_f2.reshape(1, H), bl_b2.reshape(1, H))

  sf2, sb2 = _sc_layer2(u_f2, u_b2, src3, dst3, z64, z16, ones16)

  out = pl.pallas_call(
      _tc_final, out_shape=jax.ShapeDtypeStruct((1, H), jnp.float32))(
          sf2, sb2, cnt, r2, g2, be2)
  return out.reshape(H)

# --- scband reference (transcript-rebuilt; emitter-appended) ---
"""Pipeline reference for scband-task-dagencoder-16690242912871 (READ-ONLY COPY).

The authoritative reference and input builder live on the scoring server;
editing this copy changes nothing except your own understanding.
"""

import jax, jax.numpy as jnp
import numpy as np

N = 10000
E = 320000
D = 128
H = 64


def setup_inputs(seed: int = 0) -> dict:
    key = jax.random.key(seed)
    ks = jax.random.split(key, 20)
    inp = {}
    inp["x"] = jax.random.normal(ks[0], (N, D), dtype=jnp.float32)
    inp["edge_index"] = jax.random.randint(ks[1], (2, E), 0, N, dtype=jnp.int32)
    def mkw(k, fan_in, fan_out):
        return jax.random.normal(k, (fan_in, fan_out), dtype=jnp.float32) / np.sqrt(fan_in)
    # conv_fwd1 / conv_bwd1: in=D, out=H
    inp["Wl_f1"] = mkw(ks[2], D, H); inp["bl_f1"] = jnp.zeros((H,), jnp.float32); inp["Wr_f1"] = mkw(ks[3], D, H)
    inp["Wl_b1"] = mkw(ks[4], D, H); inp["bl_b1"] = jnp.zeros((H,), jnp.float32); inp["Wr_b1"] = mkw(ks[5], D, H)
    # conv_fwd2 / conv_bwd2: in=H, out=H
    inp["Wl_f2"] = mkw(ks[6], H, H); inp["bl_f2"] = jnp.zeros((H,), jnp.float32); inp["Wr_f2"] = mkw(ks[7], H, H)
    inp["Wl_b2"] = mkw(ks[8], H, H); inp["bl_b2"] = jnp.zeros((H,), jnp.float32); inp["Wr_b2"] = mkw(ks[9], H, H)
    # batchnorm affine params
    inp["g1"] = jnp.ones((H,), jnp.float32); inp["be1"] = jnp.zeros((H,), jnp.float32)
    inp["g2"] = jnp.ones((H,), jnp.float32); inp["be2"] = jnp.zeros((H,), jnp.float32)
    return inp


def _sage(x, src, dst, Wl, bl, Wr):
    # PyG SAGEConv with mean aggregation: lin_l(mean_j x_j) + lin_r(x)
    msgs = jnp.take(x, src, axis=0)
    s = jax.ops.segment_sum(msgs, dst, num_segments=N)
    cnt = jax.ops.segment_sum(jnp.ones((src.shape[0],), x.dtype), dst, num_segments=N)
    mean = s / jnp.maximum(cnt, 1.0)[:, None]
    return mean @ Wl + bl + x @ Wr


def _bn(h, g, b):
    m = jnp.mean(h, axis=0)
    v = jnp.var(h, axis=0)
    return (h - m) / jnp.sqrt(v + 1e-5) * g + b


def reference(x, edge_index, Wl_f1, bl_f1, Wr_f1, Wl_b1, bl_b1, Wr_b1, Wl_f2, bl_f2, Wr_f2, Wl_b2, bl_b2, Wr_b2, g1, be1, g2, be2):
    src = edge_index[0]
    dst = edge_index[1]
    # edge_index_rev = edge_index.flip(0) -> swap src/dst
    h_fwd = _sage(x, src, dst, Wl_f1, bl_f1, Wr_f1)
    h_bwd = _sage(x, dst, src, Wl_b1, bl_b1, Wr_b1)
    h = jax.nn.relu(_bn(h_fwd + h_bwd, g1, be1))
    h_fwd2 = _sage(h, src, dst, Wl_f2, bl_f2, Wr_f2)
    h_bwd2 = _sage(h, dst, src, Wl_b2, bl_b2, Wr_b2)
    h2 = jax.nn.relu(_bn(h_fwd2 + h_bwd2, g2, be2))
    return jnp.max(h2, axis=0)

if __name__ == "__main__":
    import jax
    _d = setup_inputs()
    print(jax.jit(kernel)(*tuple(_d.values())))

</pallas_src>

<mosaic_0001>
#map = affine_map<(d0, d1) -> (0, 0)>
#map1 = affine_map<(d0, d1) -> (0, 0, 0)>
module attributes {stable_mosaic.version = 14 : i64} {
  func.func @body(%arg0: i32, %arg1: i32, %arg2: memref<10000x64xf32, #tpu.memory_space<hbm>>, %arg3: memref<10000x64xf32, #tpu.memory_space<hbm>>, %arg4: memref<32x80x125xi32, #tpu.memory_space<hbm>>, %arg5: memref<32x80x125xi32, #tpu.memory_space<hbm>>, %arg6: memref<625x64xf32, #tpu.memory_space<hbm>>, %arg7: memref<625x8xf32, #tpu.memory_space<hbm>>, %arg8: memref<2x125x8xf32, #tpu.memory_space<hbm>>, %arg9: memref<20000x64xf32, #tpu.memory_space<hbm>>, %arg10: memref<20000x64xf32, #tpu.memory_space<hbm>>, %arg11: memref<20x125xi32, #tpu.memory_space<vmem>>, %arg12: memref<20x125xi32, #tpu.memory_space<vmem>>, %arg13: memref<125x64xf32, #tpu.memory_space<vmem>>, %arg14: memref<125x64xf32, #tpu.memory_space<vmem>>, %arg15: memref<125x64xf32, #tpu.memory_space<vmem>>, %arg16: memref<125x64xf32, #tpu.memory_space<vmem>>, %arg17: memref<10000x64xf32, #tpu.memory_space<vmem_shared>>, %arg18: memref<10000x64xf32, #tpu.memory_space<vmem_shared>>, %arg19: memref<!tpu.dma_semaphore, #tpu.memory_space<semaphore_mem>>, %arg20: memref<!tpu.dma_semaphore, #tpu.memory_space<semaphore_mem>>, %arg21: memref<!tpu.dma_semaphore, #tpu.memory_space<semaphore_mem>>, %arg22: memref<!tpu.dma_semaphore, #tpu.memory_space<semaphore_mem>>, %arg23: memref<!tpu.dma_semaphore, #tpu.memory_space<semaphore_mem>>, %arg24: memref<!tpu.dma_semaphore, #tpu.memory_space<semaphore_mem>>) attributes {dimension_semantics = [#tpu.dimension_semantics<core_parallel>, #tpu.dimension_semantics<subcore_parallel>], iteration_bounds = array<i64: 2, 16>, scalar_prefetch = 0 : i64, scratch_operands = 14 : i64, tpu.core_type = #tpu.core_type<sc_vector_subcore>, window_params = [{transform_indices = #map}, {transform_indices = #map}, {transform_indices = #map1}, {transform_indices = #map1}, {transform_indices = #map}, {transform_indices = #map}, {transform_indices = #map1}, {transform_indices = #map}, {transform_indices = #map}]} {
    %mul3A = arith.constant 2 : i32
    %mul3A_0 = arith.muli %arg1, %mul3A : i32
    %add3A = arith.addi %mul3A_0, %arg0 : i32
    %mul3A_1 = arith.constant 625 : i32
    %mul3A_2 = arith.muli %arg1, %mul3A_1 : i32
    "tpu.region"() ({
      %run_scoped3A = tpu.sem_alloc : memref<!tpu.dma_semaphore, #tpu.memory_space<semaphore_mem>>
      %dma_start3A = arith.constant 0 : i32
      %dma_start3A_12 = tpu.memref_slice %arg17[%mul3A_2, %dma_start3A] : memref<10000x64xf32, #tpu.memory_space<vmem_shared>> -> memref<625x64xf32, #tpu.memory_space<vmem_shared>>
      tpu.enqueue_dma source(%arg6 : memref<625x64xf32, #tpu.memory_space<hbm>>) target(%dma_start3A_12 : memref<625x64xf32, #tpu.memory_space<vmem_shared>>) target_semaphore(%run_scoped3A : memref<!tpu.dma_semaphore, #tpu.memory_space<semaphore_mem>>)
      %dma_wait3A = arith.constant 0 : i32
      %dma_wait3A_13 = tpu.memref_slice %arg17[%mul3A_2, %dma_wait3A] : memref<10000x64xf32, #tpu.memory_space<vmem_shared>> -> memref<625x64xf32, #tpu.memory_space<vmem_shared>>
      tpu.wait_dma2 semaphore(%run_scoped3A : memref<!tpu.dma_semaphore, #tpu.memory_space<semaphore_mem>>) src(%arg6 : memref<625x64xf32, #tpu.memory_space<hbm>>) dst(%dma_wait3A_13 : memref<625x64xf32, #tpu.memory_space<vmem_shared>>)
      tpu.yield
    }) : () -> ()
    "tpu.region"() ({
      %run_scoped3A = tpu.sem_alloc : memref<!tpu.dma_semaphore, #tpu.memory_space<semaphore_mem>>
      %dma_start3A = arith.constant 0 : i32
      %dma_start3A_12 = tpu.memref_slice %arg18[%mul3A_2, %dma_start3A] : memref<10000x64xf32, #tpu.memory_space<vmem_shared>> -> memref<625x64xf32, #tpu.memory_space<vmem_shared>>
      tpu.enqueue_dma source(%arg6 : memref<625x64xf32, #tpu.memory_space<hbm>>) target(%dma_start3A_12 : memref<625x64xf32, #tpu.memory_space<vmem_shared>>) target_semaphore(%run_scoped3A : memref<!tpu.dma_semaphore, #tpu.memory_space<semaphore_mem>>)
      %dma_wait3A = arith.constant 0 : i32
      %dma_wait3A_13 = tpu.memref_slice %arg18[%mul3A_2, %dma_wait3A] : memref<10000x64xf32, #tpu.memory_space<vmem_shared>> -> memref<625x64xf32, #tpu.memory_space<vmem_shared>>
      tpu.wait_dma2 semaphore(%run_scoped3A : memref<!tpu.dma_semaphore, #tpu.memory_space<semaphore_mem>>) src(%arg6 : memref<625x64xf32, #tpu.memory_space<hbm>>) dst(%dma_wait3A_13 : memref<625x64xf32, #tpu.memory_space<vmem_shared>>)
      tpu.yield
    }) : () -> ()
    %barrier3A = arith.constant 0 : index
    tpu.barrier barrier_id(%barrier3A)
    %scan3A = arith.constant 0 : i32
    %scan3A_3 = arith.constant 0 : i32
    %scan3A_4 = arith.constant 4 : i32
    %scan3A_5 = arith.addi %scan3A_3, %scan3A_4 : i32
    %scan3A_6 = arith.constant 1 : i32
    scf.for %scan3A_12 = %scan3A_3 to %scan3A_5 step %scan3A_6  : i32 {
      %mul3A_13 = arith.constant 20 : i32
      %mul3A_14 = arith.muli %scan3A_12, %mul3A_13 : i32
      "tpu.region"() ({
        %run_scoped3A = tpu.sem_alloc : memref<!tpu.dma_semaphore, #tpu.memory_space<semaphore_mem>>
        %dma_start3A_36 = arith.constant 0 : i32
        %dma_start3A_37 = tpu.memref_slice %arg4[%add3A, %mul3A_14, %dma_start3A_36] : memref<32x80x125xi32, #tpu.memory_space<hbm>> -> memref<1x20x125xi32, #tpu.memory_space<hbm>>
        %dma_start3A_38 = tpu.memref_squeeze %dma_start3A_37 : memref<1x20x125xi32, #tpu.memory_space<hbm>> -> memref<20x125xi32, #tpu.memory_space<hbm>>
        %dma_start3A_39 = arith.constant 0 : i32
        %dma_start3A_40 = tpu.memref_slice %arg4[%add3A, %mul3A_14, %dma_start3A_39] : memref<32x80x125xi32, #tpu.memory_space<hbm>> -> memref<1x20x125xi32, #tpu.memory_space<hbm>>
        %dma_start3A_41 = tpu.memref_squeeze %dma_start3A_40 : memref<1x20x125xi32, #tpu.memory_space<hbm>> -> memref<20x125xi32, #tpu.memory_space<hbm>>
        tpu.enqueue_dma source(%dma_start3A_41 : memref<20x125xi32, #tpu.memory_space<hbm>>) target(%arg11 : memref<20x125xi32, #tpu.memory_space<vmem>>) target_semaphore(%run_scoped3A : memref<!tpu.dma_semaphore, #tpu.memory_space<semaphore_mem>>)
        %dma_wait3A = arith.constant 0 : i32
        %dma_wait3A_42 = tpu.memref_slice %arg4[%add3A, %mul3A_14, %dma_wait3A] : memref<32x80x125xi32, #tpu.memory_space<hbm>> -> memref<1x20x125xi32, #tpu.memory_space<hbm>>
        %dma_wait3A_43 = tpu.memref_squeeze %dma_wait3A_42 : memref<1x20x125xi32, #tpu.memory_space<hbm>> -> memref<20x125xi32, #tpu.memory_space<hbm>>
        %dma_wait3A_44 = arith.constant 0 : i32
        %dma_wait3A_45 = tpu.memref_slice %arg4[%add3A, %mul3A_14, %dma_wait3A_44] : memref<32x80x125xi32, #tpu.memory_space<hbm>> -> memref<1x20x125xi32, #tpu.memory_space<hbm>>
        %dma_wait3A_46 = tpu.memref_squeeze %dma_wait3A_45 : memref<1x20x125xi32, #tpu.memory_space<hbm>> -> memref<20x125xi32, #tpu.memory_space<hbm>>
        tpu.wait_dma2 semaphore(%run_scoped3A : memref<!tpu.dma_semaphore, #tpu.memory_space<semaphore_mem>>) src(%dma_wait3A_46 : memref<20x125xi32, #tpu.memory_space<hbm>>) dst(%arg11 : memref<20x125xi32, #tpu.memory_space<vmem>>)
        tpu.yield
      }) : () -> ()
      %mul3A_15 = arith.constant 20 : i32
      %mul3A_16 = arith.muli %scan3A_12, %mul3A_15 : i32
      "tpu.region"() ({
        %run_scoped3A = tpu.sem_alloc : memref<!tpu.dma_semaphore, #tpu.memory_space<semaphore_mem>>
        %dma_start3A_36 = arith.constant 0 : i32
        %dma_start3A_37 = tpu.memref_slice %arg5[%add3A, %mul3A_16, %dma_start3A_36] : memref<32x80x125xi32, #tpu.memory_space<hbm>> -> memref<1x20x125xi32, #tpu.memory_space<hbm>>
        %dma_start3A_38 = tpu.memref_squeeze %dma_start3A_37 : memref<1x20x125xi32, #tpu.memory_space<hbm>> -> memref<20x125xi32, #tpu.memory_space<hbm>>
        %dma_start3A_39 = arith.constant 0 : i32
        %dma_start3A_40 = tpu.memref_slice %arg5[%add3A, %mul3A_16, %dma_start3A_39] : memref<32x80x125xi32, #tpu.memory_space<hbm>> -> memref<1x20x125xi32, #tpu.memory_space<hbm>>
        %dma_start3A_41 = tpu.memref_squeeze %dma_start3A_40 : memref<1x20x125xi32, #tpu.memory_space<hbm>> -> memref<20x125xi32, #tpu.memory_space<hbm>>
        tpu.enqueue_dma source(%dma_start3A_41 : memref<20x125xi32, #tpu.memory_space<hbm>>) target(%arg12 : memref<20x125xi32, #tpu.memory_space<vmem>>) target_semaphore(%run_scoped3A : memref<!tpu.dma_semaphore, #tpu.memory_space<semaphore_mem>>)
        %dma_wait3A = arith.constant 0 : i32
        %dma_wait3A_42 = tpu.memref_slice %arg5[%add3A, %mul3A_16, %dma_wait3A] : memref<32x80x125xi32, #tpu.memory_space<hbm>> -> memref<1x20x125xi32, #tpu.memory_space<hbm>>
        %dma_wait3A_43 = tpu.memref_squeeze %dma_wait3A_42 : memref<1x20x125xi32, #tpu.memory_space<hbm>> -> memref<20x125xi32, #tpu.memory_space<hbm>>
        %dma_wait3A_44 = arith.constant 0 : i32
        %dma_wait3A_45 = tpu.memref_slice %arg5[%add3A, %mul3A_16, %dma_wait3A_44] : memref<32x80x125xi32, #tpu.memory_space<hbm>> -> memref<1x20x125xi32, #tpu.memory_space<hbm>>
        %dma_wait3A_46 = tpu.memref_squeeze %dma_wait3A_45 : memref<1x20x125xi32, #tpu.memory_space<hbm>> -> memref<20x125xi32, #tpu.memory_space<hbm>>
        tpu.wait_dma2 semaphore(%run_scoped3A : memref<!tpu.dma_semaphore, #tpu.memory_space<semaphore_mem>>) src(%dma_wait3A_46 : memref<20x125xi32, #tpu.memory_space<hbm>>) dst(%arg12 : memref<20x125xi32, #tpu.memory_space<vmem>>)
        tpu.yield
      }) : () -> ()
      %dma_start3A = arith.constant 0 : i32
      %dma_start3A_17 = arith.constant 0 : i32
      %dma_start3A_18 = tpu.memref_slice %arg11[%dma_start3A, %dma_start3A_17] : memref<20x125xi32, #tpu.memory_space<vmem>> -> memref<1x125xi32, #tpu.memory_space<vmem>>
      %dma_start3A_19 = tpu.memref_squeeze %dma_start3A_18 : memref<1x125xi32, #tpu.memory_space<vmem>> -> memref<125xi32, #tpu.memory_space<vmem>>
      %dma_start3A_20 = arith.constant 0 : i32
      %dma_start3A_21 = arith.constant 0 : i32
      %dma_start3A_22 = tpu.memref_slice %arg2[%dma_start3A_20, %dma_start3A_21] : memref<10000x64xf32, #tpu.memory_space<hbm>> -> memref<10000x64xf32, #tpu.memory_space<hbm>>
      tpu.enqueue_indirect_dma source(%dma_start3A_22 : memref<10000x64xf32, #tpu.memory_space<hbm>>) target(%arg13 : memref<125x64xf32, #tpu.memory_space<vmem>>) offsets(%dma_start3A_19 : memref<125xi32, #tpu.memory_space<vmem>>) semaphore(%arg19 : memref<!tpu.dma_semaphore, #tpu.memory_space<semaphore_mem>>)
      %dma_start3A_23 = arith.constant 0 : i32
      %dma_start3A_24 = arith.constant 0 : i32
      %dma_start3A_25 = tpu.memref_slice %arg12[%dma_start3A_23, %dma_start3A_24] : memref<20x125xi32, #tpu.memory_space<vmem>> -> memref<1x125xi32, #tpu.memory_space<vmem>>
      %dma_start3A_26 = tpu.memref_squeeze %dma_start3A_25 : memref<1x125xi32, #tpu.memory_space<vmem>> -> memref<125xi32, #tpu.memory_space<vmem>>
      %dma_start3A_27 = arith.constant 0 : i32
      %dma_start3A_28 = arith.constant 0 : i32
      %dma_start3A_29 = tpu.memref_slice %arg3[%dma_start3A_27, %dma_start3A_28] : memref<10000x64xf32, #tpu.memory_space<hbm>> -> memref<10000x64xf32, #tpu.memory_space<hbm>>
      tpu.enqueue_indirect_dma source(%dma_start3A_29 : memref<10000x64xf32, #tpu.memory_space<hbm>>) target(%arg14 : memref<125x64xf32, #tpu.memory_space<vmem>>) offsets(%dma_start3A_26 : memref<125xi32, #tpu.memory_space<vmem>>) semaphore(%arg20 : memref<!tpu.dma_semaphore, #tpu.memory_space<semaphore_mem>>)
      %scan3A_30 = arith.constant 0 : i32
      %scan3A_31 = arith.constant 0 : i32
      %scan3A_32 = arith.constant 10 : i32
      %scan3A_33 = arith.addi %scan3A_31, %scan3A_32 : i32
      %scan3A_34 = arith.constant 1 : i32
      scf.for %scan3A_36 = %scan3A_31 to %scan3A_33 step %scan3A_34  : i32 {
        %mul3A_37 = arith.constant 2 : i32
        %mul3A_38 = arith.muli %mul3A_37, %scan3A_36 : i32
        %add3A_39 = arith.constant 1 : i32
        %add3A_40 = arith.addi %mul3A_38, %add3A_39 : i32
        %dma_start3A_41 = arith.constant 0 : i32
        %dma_start3A_42 = tpu.memref_slice %arg11[%add3A_40, %dma_start3A_41] : memref<20x125xi32, #tpu.memory_space<vmem>> -> memref<1x125xi32, #tpu.memory_space<vmem>>
        %dma_start3A_43 = tpu.memref_squeeze %dma_start3A_42 : memref<1x125xi32, #tpu.memory_space<vmem>> -> memref<125xi32, #tpu.memory_space<vmem>>
        %dma_start3A_44 = arith.constant 0 : i32
        %dma_start3A_45 = arith.constant 0 : i32
        %dma_start3A_46 = tpu.memref_slice %arg2[%dma_start3A_44, %dma_start3A_45] : memref<10000x64xf32, #tpu.memory_space<hbm>> -> memref<10000x64xf32, #tpu.memory_space<hbm>>
        tpu.enqueue_indirect_dma source(%dma_start3A_46 : memref<10000x64xf32, #tpu.memory_space<hbm>>) target(%arg15 : memref<125x64xf32, #tpu.memory_space<vmem>>) offsets(%dma_start3A_43 : memref<125xi32, #tpu.memory_space<vmem>>) semaphore(%arg21 : memref<!tpu.dma_semaphore, #tpu.memory_space<semaphore_mem>>)
        %dma_start3A_47 = arith.constant 0 : i32
        %dma_start3A_48 = tpu.memref_slice %arg12[%add3A_40, %dma_start3A_47] : memref<20x125xi32, #tpu.memory_space<vmem>> -> memref<1x125xi32, #tpu.memory_space<vmem>>
        %dma_start3A_49 = tpu.memref_squeeze %dma_start3A_48 : memref<1x125xi32, #tpu.memory_space<vmem>> -> memref<125xi32, #tpu.memory_space<vmem>>
        %dma_start3A_50 = arith.constant 0 : i32
        %dma_start3A_51 = arith.constant 0 : i32
        %dma_start3A_52 = tpu.memref_slice %arg3[%dma_start3A_50, %dma_start3A_51] : memref<10000x64xf32, #tpu.memory_space<hbm>> -> memref<10000x64xf32, #tpu.memory_space<hbm>>
        tpu.enqueue_indirect_dma source(%dma_start3A_52 : memref<10000x64xf32, #tpu.memory_space<hbm>>) target(%arg16 : memref<125x64xf32, #tpu.memory_space<vmem>>) offsets(%dma_start3A_49 : memref<125xi32, #tpu.memory_space<vmem>>) semaphore(%arg22 : memref<!tpu.dma_semaphore, #tpu.memory_space<semaphore_mem>>)
        %dma_wait3A = arith.constant 0 : i32
        %dma_wait3A_53 = tpu.memref_slice %arg11[%mul3A_38, %dma_wait3A] : memref<20x125xi32, #tpu.memory_space<vmem>> -> memref<1x125xi32, #tpu.memory_space<vmem>>
        %dma_wait3A_54 = tpu.memref_squeeze %dma_wait3A_53 : memref<1x125xi32, #tpu.memory_space<vmem>> -> memref<125xi32, #tpu.memory_space<vmem>>
        %dma_wait3A_55 = arith.constant 0 : i32
        %dma_wait3A_56 = arith.constant 0 : i32
        %dma_wait3A_57 = tpu.memref_slice %arg2[%dma_wait3A_55, %dma_wait3A_56] : memref<10000x64xf32, #tpu.memory_space<hbm>> -> memref<10000x64xf32, #tpu.memory_space<hbm>>
        tpu.wait_indirect_dma semaphore(%arg19 : memref<!tpu.dma_semaphore, #tpu.memory_space<semaphore_mem>>) src(%dma_wait3A_57 : memref<10000x64xf32, #tpu.memory_space<hbm>>) dst(%arg13 : memref<125x64xf32, #tpu.memory_space<vmem>>)
        %dma_wait3A_58 = arith.constant 0 : i32
        %dma_wait3A_59 = tpu.memref_slice %arg12[%mul3A_38, %dma_wait3A_58] : memref<20x125xi32, #tpu.memory_space<vmem>> -> memref<1x125xi32, #tpu.memory_space<vmem>>
        %dma_wait3A_60 = tpu.memref_squeeze %dma_wait3A_59 : memref<1x125xi32, #tpu.memory_space<vmem>> -> memref<125xi32, #tpu.memory_space<vmem>>
        %dma_wait3A_61 = arith.constant 0 : i32
        %dma_wait3A_62 = arith.constant 0 : i32
        %dma_wait3A_63 = tpu.memref_slice %arg3[%dma_wait3A_61, %dma_wait3A_62] : memref<10000x64xf32, #tpu.memory_space<hbm>> -> memref<10000x64xf32, #tpu.memory_space<hbm>>
        tpu.wait_indirect_dma semaphore(%arg20 : memref<!tpu.dma_semaphore, #tpu.memory_space<semaphore_mem>>) src(%dma_wait3A_63 : memref<10000x64xf32, #tpu.memory_space<hbm>>) dst(%arg14 : memref<125x64xf32, #tpu.memory_space<vmem>>)
        %dma_start3A_64 = arith.constant 0 : i32
        %dma_start3A_65 = tpu.memref_slice %arg12[%mul3A_38, %dma_start3A_64] : memref<20x125xi32, #tpu.memory_space<vmem>> -> memref<1x125xi32, #tpu.memory_space<vmem>>
        %dma_start3A_66 = tpu.memref_squeeze %dma_start3A_65 : memref<1x125xi32, #tpu.memory_space<vmem>> -> memref<125xi32, #tpu.memory_space<vmem>>
        %dma_start3A_67 = arith.constant 0 : i32
        %dma_start3A_68 = arith.constant 0 : i32
        %dma_start3A_69 = tpu.memref_slice %arg17[%dma_start3A_67, %dma_start3A_68] : memref<10000x64xf32, #tpu.memory_space<vmem_shared>> -> memref<10000x64xf32, #tpu.memory_space<vmem_shared>>
        tpu.enqueue_indirect_dma source(%arg13 : memref<125x64xf32, #tpu.memory_space<vmem>>) target(%dma_start3A_69 : memref<10000x64xf32, #tpu.memory_space<vmem_shared>>) offsets(%dma_start3A_66 : memref<125xi32, #tpu.memory_space<vmem>>) semaphore(%arg23 : memref<!tpu.dma_semaphore, #tpu.memory_space<semaphore_mem>>) {add = true}
        %dma_start3A_70 = arith.constant 0 : i32
        %dma_start3A_71 = tpu.memref_slice %arg11[%mul3A_38, %dma_start3A_70] : memref<20x125xi32, #tpu.memory_space<vmem>> -> memref<1x125xi32, #tpu.memory_space<vmem>>
        %dma_start3A_72 = tpu.memref_squeeze %dma_start3A_71 : memref<1x125xi32, #tpu.memory_space<vmem>> -> memref<125xi32, #tpu.memory_space<vmem>>
        %dma_start3A_73 = arith.constant 0 : i32
        %dma_start3A_74 = arith.constant 0 : i32
        %dma_start3A_75 = tpu.memref_slice %arg18[%dma_start3A_73, %dma_start3A_74] : memref<10000x64xf32, #tpu.memory_space<vmem_shared>> -> memref<10000x64xf32, #tpu.memory_space<vmem_shared>>
        tpu.enqueue_indirect_dma source(%arg14 : memref<125x64xf32, #tpu.memory_space<vmem>>) target(%dma_start3A_75 : memref<10000x64xf32, #tpu.memory_space<vmem_shared>>) offsets(%dma_start3A_72 : memref<125xi32, #tpu.memory_space<vmem>>) semaphore(%arg23 : memref<!tpu.dma_semaphore, #tpu.memory_space<semaphore_mem>>) {add = true}
        %dma_wait3A_76 = arith.constant 0 : i32
        %dma_wait3A_77 = tpu.memref_slice %arg11[%add3A_40, %dma_wait3A_76] : memref<20x125xi32, #tpu.memory_space<vmem>> -> memref<1x125xi32, #tpu.memory_space<vmem>>
        %dma_wait3A_78 = tpu.memref_squeeze %dma_wait3A_77 : memref<1x125xi32, #tpu.memory_space<vmem>> -> memref<125xi32, #tpu.memory_space<vmem>>
        %dma_wait3A_79 = arith.constant 0 : i32
        %dma_wait3A_80 = arith.constant 0 : i32
        %dma_wait3A_81 = tpu.memref_slice %arg2[%dma_wait3A_79, %dma_wait3A_80] : memref<10000x64xf32, #tpu.memory_space<hbm>> -> memref<10000x64xf32, #tpu.memory_space<hbm>>
        tpu.wait_indirect_dma semaphore(%arg21 : memref<!tpu.dma_semaphore, #tpu.memory_space<semaphore_mem>>) src(%dma_wait3A_81 : memref<10000x64xf32, #tpu.memory_space<hbm>>) dst(%arg15 : memref<125x64xf32, #tpu.memory_space<vmem>>)
        %dma_wait3A_82 = arith.constant 0 : i32
        %dma_wait3A_83 = tpu.memref_slice %arg12[%add3A_40, %dma_wait3A_82] : memref<20x125xi32, #tpu.memory_space<vmem>> -> memref<1x125xi32, #tpu.memory_space<vmem>>
        %dma_wait3A_84 = tpu.memref_squeeze %dma_wait3A_83 : memref<1x125xi32, #tpu.memory_space<vmem>> -> memref<125xi32, #tpu.memory_space<vmem>>
        %dma_wait3A_85 = arith.constant 0 : i32
        %dma_wait3A_86 = arith.constant 0 : i32
        %dma_wait3A_87 = tpu.memref_slice %arg3[%dma_wait3A_85, %dma_wait3A_86] : memref<10000x64xf32, #tpu.memory_space<hbm>> -> memref<10000x64xf32, #tpu.memory_space<hbm>>
        tpu.wait_indirect_dma semaphore(%arg22 : memref<!tpu.dma_semaphore, #tpu.memory_space<semaphore_mem>>) src(%dma_wait3A_87 : memref<10000x64xf32, #tpu.memory_space<hbm>>) dst(%arg16 : memref<125x64xf32, #tpu.memory_space<vmem>>)
        %dma_start3A_88 = arith.constant 0 : i32
        %dma_start3A_89 = tpu.memref_slice %arg12[%add3A_40, %dma_start3A_88] : memref<20x125xi32, #tpu.memory_space<vmem>> -> memref<1x125xi32, #tpu.memory_space<vmem>>
        %dma_start3A_90 = tpu.memref_squeeze %dma_start3A_89 : memref<1x125xi32, #tpu.memory_space<vmem>> -> memref<125xi32, #tpu.memory_space<vmem>>
        %dma_start3A_91 = arith.constant 0 : i32
        %dma_start3A_92 = arith.constant 0 : i32
        %dma_start3A_93 = tpu.memref_slice %arg17[%dma_start3A_91, %dma_start3A_92] : memref<10000x64xf32, #tpu.memory_space<vmem_shared>> -> memref<10000x64xf32, #tpu.memory_space<vmem_shared>>
        tpu.enqueue_indirect_dma source(%arg15 : memref<125x64xf32, #tpu.memory_space<vmem>>) target(%dma_start3A_93 : memref<10000x64xf32, #tpu.memory_space<vmem_shared>>) offsets(%dma_start3A_90 : memref<125xi32, #tpu.memory_space<vmem>>) semaphore(%arg24 : memref<!tpu.dma_semaphore, #tpu.memory_space<semaphore_mem>>) {add = true}
        %dma_start3A_94 = arith.constant 0 : i32
        %dma_start3A_95 = tpu.memref_slice %arg11[%add3A_40, %dma_start3A_94] : memref<20x125xi32, #tpu.memory_space<vmem>> -> memref<1x125xi32, #tpu.memory_space<vmem>>
        %dma_start3A_96 = tpu.memref_squeeze %dma_start3A_95 : memref<1x125xi32, #tpu.memory_space<vmem>> -> memref<125xi32, #tpu.memory_space<vmem>>
        %dma_start3A_97 = arith.constant 0 : i32
        %dma_start3A_98 = arith.constant 0 : i32
        %dma_start3A_99 = tpu.memref_slice %arg18[%dma_start3A_97, %dma_start3A_98] : memref<10000x64xf32, #tpu.memory_space<vmem_shared>> -> memref<10000x64xf32, #tpu.memory_space<vmem_shared>>
        tpu.enqueue_indirect_dma source(%arg16 : memref<125x64xf32, #tpu.memory_space<vmem>>) target(%dma_start3A_99 : memref<10000x64xf32, #tpu.memory_space<vmem_shared>>) offsets(%dma_start3A_96 : memref<125xi32, #tpu.memory_space<vmem>>) semaphore(%arg24 : memref<!tpu.dma_semaphore, #tpu.memory_space<semaphore_mem>>) {add = true}
        %dma_wait3A_100 = arith.constant 0 : i32
        %dma_wait3A_101 = tpu.memref_slice %arg12[%mul3A_38, %dma_wait3A_100] : memref<20x125xi32, #tpu.memory_space<vmem>> -> memref<1x125xi32, #tpu.memory_space<vmem>>
        %dma_wait3A_102 = tpu.memref_squeeze %dma_wait3A_101 : memref<1x125xi32, #tpu.memory_space<vmem>> -> memref<125xi32, #tpu.memory_space<vmem>>
        %dma_wait3A_103 = arith.constant 0 : i32
        %dma_wait3A_104 = arith.constant 0 : i32
        %dma_wait3A_105 = tpu.memref_slice %arg17[%dma_wait3A_103, %dma_wait3A_104] : memref<10000x64xf32, #tpu.memory_space<vmem_shared>> -> memref<10000x64xf32, #tpu.memory_space<vmem_shared>>
        tpu.wait_indirect_dma semaphore(%arg23 : memref<!tpu.dma_semaphore, #tpu.memory_space<semaphore_mem>>) src(%arg13 : memref<125x64xf32, #tpu.memory_space<vmem>>) dst(%dma_wait3A_105 : memref<10000x64xf32, #tpu.memory_space<vmem_shared>>)
        %dma_wait3A_106 = arith.constant 0 : i32
        %dma_wait3A_107 = tpu.memref_slice %arg11[%mul3A_38, %dma_wait3A_106] : memref<20x125xi32, #tpu.memory_space<vmem>> -> memref<1x125xi32, #tpu.memory_space<vmem>>
        %dma_wait3A_108 = tpu.memref_squeeze %dma_wait3A_107 : memref<1x125xi32, #tpu.memory_space<vmem>> -> memref<125xi32, #tpu.memory_space<vmem>>
        %dma_wait3A_109 = arith.constant 0 : i32
        %dma_wait3A_110 = arith.constant 0 : i32
        %dma_wait3A_111 = tpu.memref_slice %arg18[%dma_wait3A_109, %dma_wait3A_110] : memref<10000x64xf32, #tpu.memory_space<vmem_shared>> -> memref<10000x64xf32, #tpu.memory_space<vmem_shared>>
        tpu.wait_indirect_dma semaphore(%arg23 : memref<!tpu.dma_semaphore, #tpu.memory_space<semaphore_mem>>) src(%arg14 : memref<125x64xf32, #tpu.memory_space<vmem>>) dst(%dma_wait3A_111 : memref<10000x64xf32, #tpu.memory_space<vmem_shared>>)
        %add3A_112 = arith.constant 1 : i32
        %add3A_113 = arith.addi %scan3A_36, %add3A_112 : i32
        %lt3A = arith.constant 10 : i32
        %lt3A_114 = arith.cmpi slt, %add3A_113, %lt3A : i32
        %convert_element_type3A = arith.extui %lt3A_114 : i1 to i32
        %cond3A = arith.constant 0 : i32
        %cond3A_115 = arith.cmpi ne, %convert_element_type3A, %cond3A : i32
        scf.if %cond3A_115 {
          %add3A_128 = arith.constant 2 : i32
          %add3A_129 = arith.addi %mul3A_38, %add3A_128 : i32
          %dma_start3A_130 = arith.constant 0 : i32
          %dma_start3A_131 = tpu.memref_slice %arg11[%add3A_129, %dma_start3A_130] : memref<20x125xi32, #tpu.memory_space<vmem>> -> memref<1x125xi32, #tpu.memory_space<vmem>>
          %dma_start3A_132 = tpu.memref_squeeze %dma_start3A_131 : memref<1x125xi32, #tpu.memory_space<vmem>> -> memref<125xi32, #tpu.memory_space<vmem>>
          %dma_start3A_133 = arith.constant 0 : i32
          %dma_start3A_134 = arith.constant 0 : i32
          %dma_start3A_135 = tpu.memref_slice %arg2[%dma_start3A_133, %dma_start3A_134] : memref<10000x64xf32, #tpu.memory_space<hbm>> -> memref<10000x64xf32, #tpu.memory_space<hbm>>
          tpu.enqueue_indirect_dma source(%dma_start3A_135 : memref<10000x64xf32, #tpu.memory_space<hbm>>) target(%arg13 : memref<125x64xf32, #tpu.memory_space<vmem>>) offsets(%dma_start3A_132 : memref<125xi32, #tpu.memory_space<vmem>>) semaphore(%arg19 : memref<!tpu.dma_semaphore, #tpu.memory_space<semaphore_mem>>)
          %dma_start3A_136 = arith.constant 0 : i32
          %dma_start3A_137 = tpu.memref_slice %arg12[%add3A_129, %dma_start3A_136] : memref<20x125xi32, #tpu.memory_space<vmem>> -> memref<1x125xi32, #tpu.memory_space<vmem>>
          %dma_start3A_138 = tpu.memref_squeeze %dma_start3A_137 : memref<1x125xi32, #tpu.memory_space<vmem>> -> memref<125xi32, #tpu.memory_space<vmem>>
          %dma_start3A_139 = arith.constant 0 : i32
          %dma_start3A_140 = arith.constant 0 : i32
          %dma_start3A_141 = tpu.memref_slice %arg3[%dma_start3A_139, %dma_start3A_140] : memref<10000x64xf32, #tpu.memory_space<hbm>> -> memref<10000x64xf32, #tpu.memory_space<hbm>>
          tpu.enqueue_indirect_dma source(%dma_start3A_141 : memref<10000x64xf32, #tpu.memory_space<hbm>>) target(%arg14 : memref<125x64xf32, #tpu.memory_space<vmem>>) offsets(%dma_start3A_138 : memref<125xi32, #tpu.memory_space<vmem>>) semaphore(%arg20 : memref<!tpu.dma_semaphore, #tpu.memory_space<semaphore_mem>>)
        } else {
        }
        %dma_wait3A_116 = arith.constant 0 : i32
        %dma_wait3A_117 = tpu.memref_slice %arg12[%add3A_40, %dma_wait3A_116] : memref<20x125xi32, #tpu.memory_space<vmem>> -> memref<1x125xi32, #tpu.memory_space<vmem>>
        %dma_wait3A_118 = tpu.memref_squeeze %dma_wait3A_117 : memref<1x125xi32, #tpu.memory_space<vmem>> -> memref<125xi32, #tpu.memory_space<vmem>>
        %dma_wait3A_119 = arith.constant 0 : i32
        %dma_wait3A_120 = arith.constant 0 : i32
        %dma_wait3A_121 = tpu.memref_slice %arg17[%dma_wait3A_119, %dma_wait3A_120] : memref<10000x64xf32, #tpu.memory_space<vmem_shared>> -> memref<10000x64xf32, #tpu.memory_space<vmem_shared>>
        tpu.wait_indirect_dma semaphore(%arg24 : memref<!tpu.dma_semaphore, #tpu.memory_space<semaphore_mem>>) src(%arg15 : memref<125x64xf32, #tpu.memory_space<vmem>>) dst(%dma_wait3A_121 : memref<10000x64xf32, #tpu.memory_space<vmem_shared>>)
        %dma_wait3A_122 = arith.constant 0 : i32
        %dma_wait3A_123 = tpu.memref_slice %arg11[%add3A_40, %dma_wait3A_122] : memref<20x125xi32, #tpu.memory_space<vmem>> -> memref<1x125xi32, #tpu.memory_space<vmem>>
        %dma_wait3A_124 = tpu.memref_squeeze %dma_wait3A_123 : memref<1x125xi32, #tpu.memory_space<vmem>> -> memref<125xi32, #tpu.memory_space<vmem>>
        %dma_wait3A_125 = arith.constant 0 : i32
        %dma_wait3A_126 = arith.constant 0 : i32
        %dma_wait3A_127 = tpu.memref_slice %arg18[%dma_wait3A_125, %dma_wait3A_126] : memref<10000x64xf32, #tpu.memory_space<vmem_shared>> -> memref<10000x64xf32, #tpu.memory_space<vmem_shared>>
        tpu.wait_indirect_dma semaphore(%arg24 : memref<!tpu.dma_semaphore, #tpu.memory_space<semaphore_mem>>) src(%arg16 : memref<125x64xf32, #tpu.memory_space<vmem>>) dst(%dma_wait3A_127 : memref<10000x64xf32, #tpu.memory_space<vmem_shared>>)
      }
      %scan3A_35 = arith.constant 10 : i32
    }
    %scan3A_7 = arith.constant 4 : i32
    %barrier3A_8 = arith.constant 0 : index
    tpu.barrier barrier_id(%barrier3A_8)
    %mul3A_9 = arith.constant 10000 : i32
    %mul3A_10 = arith.muli %arg0, %mul3A_9 : i32
    %add3A_11 = arith.addi %mul3A_10, %mul3A_2 : i32
    "tpu.region"() ({
      %run_scoped3A = tpu.sem_alloc : memref<!tpu.dma_semaphore, #tpu.memory_space<semaphore_mem>>
      %dma_start3A = arith.constant 0 : i32
      %dma_start3A_12 = tpu.memref_slice %arg9[%add3A_11, %dma_start3A] : memref<20000x64xf32, #tpu.memory_space<hbm>> -> memref<625x64xf32, #tpu.memory_space<hbm>>
      %dma_start3A_13 = arith.constant 0 : i32
      %dma_start3A_14 = tpu.memref_slice %arg17[%mul3A_2, %dma_start3A_13] : memref<10000x64xf32, #tpu.memory_space<vmem_shared>> -> memref<625x64xf32, #tpu.memory_space<vmem_shared>>
      tpu.enqueue_dma source(%dma_start3A_14 : memref<625x64xf32, #tpu.memory_space<vmem_shared>>) target(%dma_start3A_12 : memref<625x64xf32, #tpu.memory_space<hbm>>) target_semaphore(%run_scoped3A : memref<!tpu.dma_semaphore, #tpu.memory_space<semaphore_mem>>)
      %dma_wait3A = arith.constant 0 : i32
      %dma_wait3A_15 = tpu.memref_slice %arg9[%add3A_11, %dma_wait3A] : memref<20000x64xf32, #tpu.memory_space<hbm>> -> memref<625x64xf32, #tpu.memory_space<hbm>>
      %dma_wait3A_16 = arith.constant 0 : i32
      %dma_wait3A_17 = tpu.memref_slice %arg17[%mul3A_2, %dma_wait3A_16] : memref<10000x64xf32, #tpu.memory_space<vmem_shared>> -> memref<625x64xf32, #tpu.memory_space<vmem_shared>>
      tpu.wait_dma2 semaphore(%run_scoped3A : memref<!tpu.dma_semaphore, #tpu.memory_space<semaphore_mem>>) src(%dma_wait3A_17 : memref<625x64xf32, #tpu.memory_space<vmem_shared>>) dst(%dma_wait3A_15 : memref<625x64xf32, #tpu.memory_space<hbm>>)
      tpu.yield
    }) : () -> ()
    "tpu.region"() ({
      %run_scoped3A = tpu.sem_alloc : memref<!tpu.dma_semaphore, #tpu.memory_space<semaphore_mem>>
      %dma_start3A = arith.constant 0 : i32
      %dma_start3A_12 = tpu.memref_slice %arg10[%add3A_11, %dma_start3A] : memref<20000x64xf32, #tpu.memory_space<hbm>> -> memref<625x64xf32, #tpu.memory_space<hbm>>
      %dma_start3A_13 = arith.constant 0 : i32
      %dma_start3A_14 = tpu.memref_slice %arg18[%mul3A_2, %dma_start3A_13] : memref<10000x64xf32, #tpu.memory_space<vmem_shared>> -> memref<625x64xf32, #tpu.memory_space<vmem_shared>>
      tpu.enqueue_dma source(%dma_start3A_14 : memref<625x64xf32, #tpu.memory_space<vmem_shared>>) target(%dma_start3A_12 : memref<625x64xf32, #tpu.memory_space<hbm>>) target_semaphore(%run_scoped3A : memref<!tpu.dma_semaphore, #tpu.memory_space<semaphore_mem>>)
      %dma_wait3A = arith.constant 0 : i32
      %dma_wait3A_15 = tpu.memref_slice %arg10[%add3A_11, %dma_wait3A] : memref<20000x64xf32, #tpu.memory_space<hbm>> -> memref<625x64xf32, #tpu.memory_space<hbm>>
      %dma_wait3A_16 = arith.constant 0 : i32
      %dma_wait3A_17 = tpu.memref_slice %arg18[%mul3A_2, %dma_wait3A_16] : memref<10000x64xf32, #tpu.memory_space<vmem_shared>> -> memref<625x64xf32, #tpu.memory_space<vmem_shared>>
      tpu.wait_dma2 semaphore(%run_scoped3A : memref<!tpu.dma_semaphore, #tpu.memory_space<semaphore_mem>>) src(%dma_wait3A_17 : memref<625x64xf32, #tpu.memory_space<vmem_shared>>) dst(%dma_wait3A_15 : memref<625x64xf32, #tpu.memory_space<hbm>>)
      tpu.yield
    }) : () -> ()
    return
  }
}

#map = affine_map<(d0, d1) -> (0, 0)>
#map1 = affine_map<(d0, d1) -> (0, 0, 0)>
module attributes {stable_mosaic.version = 14 : i64} {
  func.func @body(%arg0: i32, %arg1: i32, %arg2: memref<10000x64xf32, #tpu.memory_space<hbm>>, %arg3: memref<10000x64xf32, #tpu.memory_space<hbm>>, %arg4: memref<32x80x125xi32, #tpu.memory_space<hbm>>, %arg5: memref<32x80x125xi32, #tpu.memory_space<hbm>>, %arg6: memref<625x64xf32, #tpu.memory_space<hbm>>, %arg7: memref<625x8xf32, #tpu.memory_space<hbm>>, %arg8: memref<2x125x8xf32, #tpu.memory_space<hbm>>, %arg9: memref<20000x64xf32, #tpu.memory_space<hbm>>, %arg10: memref<20000x64xf32, #tpu.memory_space<hbm>>, %arg11: memref<20000x8xf32, #tpu.memory_space<hbm>>, %arg12: memref<20x125xi32, #tpu.memory_space<vmem>>, %arg13: memref<20x125xi32, #tpu.memory_space<vmem>>, %arg14: memref<125x64xf32, #tpu.memory_space<vmem>>, %arg15: memref<125x64xf32, #tpu.memory_space<vmem>>, %arg16: memref<125x64xf32, #tpu.memory_space<vmem>>, %arg17: memref<125x64xf32, #tpu.memory_space<vmem>>, %arg18: memref<10000x64xf32, #tpu.memory_space<vmem_shared>>, %arg19: memref<10000x64xf32, #tpu.memory_space<vmem_shared>>, %arg20: memref<!tpu.dma_semaphore, #tpu.memory_space<semaphore_mem>>, %arg21: memref<!tpu.dma_semaphore, #tpu.memory_space<semaphore_mem>>, %arg22: memref<!tpu.dma_semaphore, #tpu.memory_space<semaphore_mem>>, %arg23: memref<!tpu.dma_semaphore, #tpu.memory_space<semaphore_mem>>, %arg24: memref<!tpu.dma_semaphore, #tpu.memory_space<semaphore_mem>>, %arg25: memref<!tpu.dma_semaphore, #tpu.memory_space<semaphore_mem>>, %arg26: memref<125x8xf32, #tpu.memory_space<vmem>>, %arg27: memref<125x8xf32, #tpu.memory_space<vmem>>, %arg28: memref<10000x8xf32, #tpu.memory_space<vmem_shared>>) attributes {dimension_semantics = [#tpu.dimension_semantics<core_parallel>, #tpu.dimension_semantics<subcore_parallel>], iteration_bounds = array<i64: 2, 16>, scalar_prefetch = 0 : i64, scratch_operands = 17 : i64, tpu.core_type = #tpu.core_type<sc_vector_subcore>, window_params = [{transform_indices = #map}, {transform_indices = #map}, {transform_indices = #map1}, {transform_indices = #map1}, {transform_indices = #map}, {transform_indices = #map}, {transform_indices = #map1}, {transform_indices = #map}, {transform_indices = #map}, {transform_indices = #map}]} {
    %mul3A = arith.constant 2 : i32
    %mul3A_0 = arith.muli %arg1, %mul3A : i32
    %add3A = arith.addi %mul3A_0, %arg0 : i32
    %mul3A_1 = arith.constant 625 : i32
    %mul3A_2 = arith.muli %arg1, %mul3A_1 : i32
    "tpu.region"() ({
      %run_scoped3A_13 = tpu.sem_alloc : memref<!tpu.dma_semaphore, #tpu.memory_space<semaphore_mem>>
      %dma_start3A = arith.constant 0 : i32
      %dma_start3A_14 = tpu.memref_slice %arg18[%mul3A_2, %dma_start3A] : memref<10000x64xf32, #tpu.memory_space<vmem_shared>> -> memref<625x64xf32, #tpu.memory_space<vmem_shared>>
      tpu.enqueue_dma source(%arg6 : memref<625x64xf32, #tpu.memory_space<hbm>>) target(%dma_start3A_14 : memref<625x64xf32, #tpu.memory_space<vmem_shared>>) target_semaphore(%run_scoped3A_13 : memref<!tpu.dma_semaphore, #tpu.memory_space<semaphore_mem>>)
      %dma_wait3A = arith.constant 0 : i32
      %dma_wait3A_15 = tpu.memref_slice %arg18[%mul3A_2, %dma_wait3A] : memref<10000x64xf32, #tpu.memory_space<vmem_shared>> -> memref<625x64xf32, #tpu.memory_space<vmem_shared>>
      tpu.wait_dma2 semaphore(%run_scoped3A_13 : memref<!tpu.dma_semaphore, #tpu.memory_space<semaphore_mem>>) src(%arg6 : memref<625x64xf32, #tpu.memory_space<hbm>>) dst(%dma_wait3A_15 : memref<625x64xf32, #tpu.memory_space<vmem_shared>>)
      tpu.yield
    }) : () -> ()
    "tpu.region"() ({
      %run_scoped3A_13 = tpu.sem_alloc : memref<!tpu.dma_semaphore, #tpu.memory_space<semaphore_mem>>
      %dma_start3A = arith.constant 0 : i32
      %dma_start3A_14 = tpu.memref_slice %arg19[%mul3A_2, %dma_start3A] : memref<10000x64xf32, #tpu.memory_space<vmem_shared>> -> memref<625x64xf32, #tpu.memory_space<vmem_shared>>
      tpu.enqueue_dma source(%arg6 : memref<625x64xf32, #tpu.memory_space<hbm>>) target(%dma_start3A_14 : memref<625x64xf32, #tpu.memory_space<vmem_shared>>) target_semaphore(%run_scoped3A_13 : memref<!tpu.dma_semaphore, #tpu.memory_space<semaphore_mem>>)
      %dma_wait3A = arith.constant 0 : i32
      %dma_wait3A_15 = tpu.memref_slice %arg19[%mul3A_2, %dma_wait3A] : memref<10000x64xf32, #tpu.memory_space<vmem_shared>> -> memref<625x64xf32, #tpu.memory_space<vmem_shared>>
      tpu.wait_dma2 semaphore(%run_scoped3A_13 : memref<!tpu.dma_semaphore, #tpu.memory_space<semaphore_mem>>) src(%arg6 : memref<625x64xf32, #tpu.memory_space<hbm>>) dst(%dma_wait3A_15 : memref<625x64xf32, #tpu.memory_space<vmem_shared>>)
      tpu.yield
    }) : () -> ()
    "tpu.region"() ({
      %run_scoped3A_13 = tpu.sem_alloc : memref<!tpu.dma_semaphore, #tpu.memory_space<semaphore_mem>>
      %dma_start3A = arith.constant 0 : i32
      %dma_start3A_14 = tpu.memref_slice %arg28[%mul3A_2, %dma_start3A] : memref<10000x8xf32, #tpu.memory_space<vmem_shared>> -> memref<625x8xf32, #tpu.memory_space<vmem_shared>>
      tpu.enqueue_dma source(%arg7 : memref<625x8xf32, #tpu.memory_space<hbm>>) target(%dma_start3A_14 : memref<625x8xf32, #tpu.memory_space<vmem_shared>>) target_semaphore(%run_scoped3A_13 : memref<!tpu.dma_semaphore, #tpu.memory_space<semaphore_mem>>)
      %dma_wait3A = arith.constant 0 : i32
      %dma_wait3A_15 = tpu.memref_slice %arg28[%mul3A_2, %dma_wait3A] : memref<10000x8xf32, #tpu.memory_space<vmem_shared>> -> memref<625x8xf32, #tpu.memory_space<vmem_shared>>
      tpu.wait_dma2 semaphore(%run_scoped3A_13 : memref<!tpu.dma_semaphore, #tpu.memory_space<semaphore_mem>>) src(%arg7 : memref<625x8xf32, #tpu.memory_space<hbm>>) dst(%dma_wait3A_15 : memref<625x8xf32, #tpu.memory_space<vmem_shared>>)
      tpu.yield
    }) : () -> ()
    %run_scoped3A = arith.constant 0 : i32
    "tpu.region"() ({
      %run_scoped3A_13 = tpu.sem_alloc : memref<!tpu.dma_semaphore, #tpu.memory_space<semaphore_mem>>
      %dma_start3A = arith.constant 0 : i32
      %dma_start3A_14 = arith.constant 0 : i32
      %dma_start3A_15 = tpu.memref_slice %arg8[%run_scoped3A, %dma_start3A, %dma_start3A_14] : memref<2x125x8xf32, #tpu.memory_space<hbm>> -> memref<1x125x8xf32, #tpu.memory_space<hbm>>
      %dma_start3A_16 = tpu.memref_squeeze %dma_start3A_15 : memref<1x125x8xf32, #tpu.memory_space<hbm>> -> memref<125x8xf32, #tpu.memory_space<hbm>>
      %dma_start3A_17 = arith.constant 0 : i32
      %dma_start3A_18 = arith.constant 0 : i32
      %dma_start3A_19 = tpu.memref_slice %arg8[%run_scoped3A, %dma_start3A_17, %dma_start3A_18] : memref<2x125x8xf32, #tpu.memory_space<hbm>> -> memref<1x125x8xf32, #tpu.memory_space<hbm>>
      %dma_start3A_20 = tpu.memref_squeeze %dma_start3A_19 : memref<1x125x8xf32, #tpu.memory_space<hbm>> -> memref<125x8xf32, #tpu.memory_space<hbm>>
      tpu.enqueue_dma source(%dma_start3A_20 : memref<125x8xf32, #tpu.memory_space<hbm>>) target(%arg26 : memref<125x8xf32, #tpu.memory_space<vmem>>) target_semaphore(%run_scoped3A_13 : memref<!tpu.dma_semaphore, #tpu.memory_space<semaphore_mem>>)
      %dma_wait3A = arith.constant 0 : i32
      %dma_wait3A_21 = arith.constant 0 : i32
      %dma_wait3A_22 = tpu.memref_slice %arg8[%run_scoped3A, %dma_wait3A, %dma_wait3A_21] : memref<2x125x8xf32, #tpu.memory_space<hbm>> -> memref<1x125x8xf32, #tpu.memory_space<hbm>>
      %dma_wait3A_23 = tpu.memref_squeeze %dma_wait3A_22 : memref<1x125x8xf32, #tpu.memory_space<hbm>> -> memref<125x8xf32, #tpu.memory_space<hbm>>
      %dma_wait3A_24 = arith.constant 0 : i32
      %dma_wait3A_25 = arith.constant 0 : i32
      %dma_wait3A_26 = tpu.memref_slice %arg8[%run_scoped3A, %dma_wait3A_24, %dma_wait3A_25] : memref<2x125x8xf32, #tpu.memory_space<hbm>> -> memref<1x125x8xf32, #tpu.memory_space<hbm>>
      %dma_wait3A_27 = tpu.memref_squeeze %dma_wait3A_26 : memref<1x125x8xf32, #tpu.memory_space<hbm>> -> memref<125x8xf32, #tpu.memory_space<hbm>>
      tpu.wait_dma2 semaphore(%run_scoped3A_13 : memref<!tpu.dma_semaphore, #tpu.memory_space<semaphore_mem>>) src(%dma_wait3A_27 : memref<125x8xf32, #tpu.memory_space<hbm>>) dst(%arg26 : memref<125x8xf32, #tpu.memory_space<vmem>>)
      tpu.yield
    }) : () -> ()
    %run_scoped3A_3 = arith.constant 1 : i32
    "tpu.region"() ({
      %run_scoped3A_13 = tpu.sem_alloc : memref<!tpu.dma_semaphore, #tpu.memory_space<semaphore_mem>>
      %dma_start3A = arith.constant 0 : i32
      %dma_start3A_14 = arith.constant 0 : i32
      %dma_start3A_15 = tpu.memref_slice %arg8[%run_scoped3A_3, %dma_start3A, %dma_start3A_14] : memref<2x125x8xf32, #tpu.memory_space<hbm>> -> memref<1x125x8xf32, #tpu.memory_space<hbm>>
      %dma_start3A_16 = tpu.memref_squeeze %dma_start3A_15 : memref<1x125x8xf32, #tpu.memory_space<hbm>> -> memref<125x8xf32, #tpu.memory_space<hbm>>
      %dma_start3A_17 = arith.constant 0 : i32
      %dma_start3A_18 = arith.constant 0 : i32
      %dma_start3A_19 = tpu.memref_slice %arg8[%run_scoped3A_3, %dma_start3A_17, %dma_start3A_18] : memref<2x125x8xf32, #tpu.memory_space<hbm>> -> memref<1x125x8xf32, #tpu.memory_space<hbm>>
      %dma_start3A_20 = tpu.memref_squeeze %dma_start3A_19 : memref<1x125x8xf32, #tpu.memory_space<hbm>> -> memref<125x8xf32, #tpu.memory_space<hbm>>
      tpu.enqueue_dma source(%dma_start3A_20 : memref<125x8xf32, #tpu.memory_space<hbm>>) target(%arg27 : memref<125x8xf32, #tpu.memory_space<vmem>>) target_semaphore(%run_scoped3A_13 : memref<!tpu.dma_semaphore, #tpu.memory_space<semaphore_mem>>)
      %dma_wait3A = arith.constant 0 : i32
      %dma_wait3A_21 = arith.constant 0 : i32
      %dma_wait3A_22 = tpu.memref_slice %arg8[%run_scoped3A_3, %dma_wait3A, %dma_wait3A_21] : memref<2x125x8xf32, #tpu.memory_space<hbm>> -> memref<1x125x8xf32, #tpu.memory_space<hbm>>
      %dma_wait3A_23 = tpu.memref_squeeze %dma_wait3A_22 : memref<1x125x8xf32, #tpu.memory_space<hbm>> -> memref<125x8xf32, #tpu.memory_space<hbm>>
      %dma_wait3A_24 = arith.constant 0 : i32
      %dma_wait3A_25 = arith.constant 0 : i32
      %dma_wait3A_26 = tpu.memref_slice %arg8[%run_scoped3A_3, %dma_wait3A_24, %dma_wait3A_25] : memref<2x125x8xf32, #tpu.memory_space<hbm>> -> memref<1x125x8xf32, #tpu.memory_space<hbm>>
      %dma_wait3A_27 = tpu.memref_squeeze %dma_wait3A_26 : memref<1x125x8xf32, #tpu.memory_space<hbm>> -> memref<125x8xf32, #tpu.memory_space<hbm>>
      tpu.wait_dma2 semaphore(%run_scoped3A_13 : memref<!tpu.dma_semaphore, #tpu.memory_space<semaphore_mem>>) src(%dma_wait3A_27 : memref<125x8xf32, #tpu.memory_space<hbm>>) dst(%arg27 : memref<125x8xf32, #tpu.memory_space<vmem>>)
      tpu.yield
    }) : () -> ()
    %barrier3A = arith.constant 0 : index
    tpu.barrier barrier_id(%barrier3A)
    %scan3A = arith.constant 0 : i32
    %scan3A_4 = arith.constant 0 : i32
    %scan3A_5 = arith.constant 4 : i32
    %scan3A_6 = arith.addi %scan3A_4, %scan3A_5 : i32
    %scan3A_7 = arith.constant 1 : i32
    scf.for %scan3A_13 = %scan3A_4 to %scan3A_6 step %scan3A_7  : i32 {
      %mul3A_14 = arith.constant 20 : i32
      %mul3A_15 = arith.muli %scan3A_13, %mul3A_14 : i32
      "tpu.region"() ({
        %run_scoped3A_37 = tpu.sem_alloc : memref<!tpu.dma_semaphore, #tpu.memory_space<semaphore_mem>>
        %dma_start3A_38 = arith.constant 0 : i32
        %dma_start3A_39 = tpu.memref_slice %arg4[%add3A, %mul3A_15, %dma_start3A_38] : memref<32x80x125xi32, #tpu.memory_space<hbm>> -> memref<1x20x125xi32, #tpu.memory_space<hbm>>
        %dma_start3A_40 = tpu.memref_squeeze %dma_start3A_39 : memref<1x20x125xi32, #tpu.memory_space<hbm>> -> memref<20x125xi32, #tpu.memory_space<hbm>>
        %dma_start3A_41 = arith.constant 0 : i32
        %dma_start3A_42 = tpu.memref_slice %arg4[%add3A, %mul3A_15, %dma_start3A_41] : memref<32x80x125xi32, #tpu.memory_space<hbm>> -> memref<1x20x125xi32, #tpu.memory_space<hbm>>
        %dma_start3A_43 = tpu.memref_squeeze %dma_start3A_42 : memref<1x20x125xi32, #tpu.memory_space<hbm>> -> memref<20x125xi32, #tpu.memory_space<hbm>>
        tpu.enqueue_dma source(%dma_start3A_43 : memref<20x125xi32, #tpu.memory_space<hbm>>) target(%arg12 : memref<20x125xi32, #tpu.memory_space<vmem>>) target_semaphore(%run_scoped3A_37 : memref<!tpu.dma_semaphore, #tpu.memory_space<semaphore_mem>>)
        %dma_wait3A = arith.constant 0 : i32
        %dma_wait3A_44 = tpu.memref_slice %arg4[%add3A, %mul3A_15, %dma_wait3A] : memref<32x80x125xi32, #tpu.memory_space<hbm>> -> memref<1x20x125xi32, #tpu.memory_space<hbm>>
        %dma_wait3A_45 = tpu.memref_squeeze %dma_wait3A_44 : memref<1x20x125xi32, #tpu.memory_space<hbm>> -> memref<20x125xi32, #tpu.memory_space<hbm>>
        %dma_wait3A_46 = arith.constant 0 : i32
        %dma_wait3A_47 = tpu.memref_slice %arg4[%add3A, %mul3A_15, %dma_wait3A_46] : memref<32x80x125xi32, #tpu.memory_space<hbm>> -> memref<1x20x125xi32, #tpu.memory_space<hbm>>
        %dma_wait3A_48 = tpu.memref_squeeze %dma_wait3A_47 : memref<1x20x125xi32, #tpu.memory_space<hbm>> -> memref<20x125xi32, #tpu.memory_space<hbm>>
        tpu.wait_dma2 semaphore(%run_scoped3A_37 : memref<!tpu.dma_semaphore, #tpu.memory_space<semaphore_mem>>) src(%dma_wait3A_48 : memref<20x125xi32, #tpu.memory_space<hbm>>) dst(%arg12 : memref<20x125xi32, #tpu.memory_space<vmem>>)
        tpu.yield
      }) : () -> ()
      %mul3A_16 = arith.constant 20 : i32
      %mul3A_17 = arith.muli %scan3A_13, %mul3A_16 : i32
      "tpu.region"() ({
        %run_scoped3A_37 = tpu.sem_alloc : memref<!tpu.dma_semaphore, #tpu.memory_space<semaphore_mem>>
        %dma_start3A_38 = arith.constant 0 : i32
        %dma_start3A_39 = tpu.memref_slice %arg5[%add3A, %mul3A_17, %dma_start3A_38] : memref<32x80x125xi32, #tpu.memory_space<hbm>> -> memref<1x20x125xi32, #tpu.memory_space<hbm>>
        %dma_start3A_40 = tpu.memref_squeeze %dma_start3A_39 : memref<1x20x125xi32, #tpu.memory_space<hbm>> -> memref<20x125xi32, #tpu.memory_space<hbm>>
        %dma_start3A_41 = arith.constant 0 : i32
        %dma_start3A_42 = tpu.memref_slice %arg5[%add3A, %mul3A_17, %dma_start3A_41] : memref<32x80x125xi32, #tpu.memory_space<hbm>> -> memref<1x20x125xi32, #tpu.memory_space<hbm>>
        %dma_start3A_43 = tpu.memref_squeeze %dma_start3A_42 : memref<1x20x125xi32, #tpu.memory_space<hbm>> -> memref<20x125xi32, #tpu.memory_space<hbm>>
        tpu.enqueue_dma source(%dma_start3A_43 : memref<20x125xi32, #tpu.memory_space<hbm>>) target(%arg13 : memref<20x125xi32, #tpu.memory_space<vmem>>) target_semaphore(%run_scoped3A_37 : memref<!tpu.dma_semaphore, #tpu.memory_space<semaphore_mem>>)
        %dma_wait3A = arith.constant 0 : i32
        %dma_wait3A_44 = tpu.memref_slice %arg5[%add3A, %mul3A_17, %dma_wait3A] : memref<32x80x125xi32, #tpu.memory_space<hbm>> -> memref<1x20x125xi32, #tpu.memory_space<hbm>>
        %dma_wait3A_45 = tpu.memref_squeeze %dma_wait3A_44 : memref<1x20x125xi32, #tpu.memory_space<hbm>> -> memref<20x125xi32, #tpu.memory_space<hbm>>
        %dma_wait3A_46 = arith.constant 0 : i32
        %dma_wait3A_47 = tpu.memref_slice %arg5[%add3A, %mul3A_17, %dma_wait3A_46] : memref<32x80x125xi32, #tpu.memory_space<hbm>> -> memref<1x20x125xi32, #tpu.memory_space<hbm>>
        %dma_wait3A_48 = tpu.memref_squeeze %dma_wait3A_47 : memref<1x20x125xi32, #tpu.memory_space<hbm>> -> memref<20x125xi32, #tpu.memory_space<hbm>>
        tpu.wait_dma2 semaphore(%run_scoped3A_37 : memref<!tpu.dma_semaphore, #tpu.memory_space<semaphore_mem>>) src(%dma_wait3A_48 : memref<20x125xi32, #tpu.memory_space<hbm>>) dst(%arg13 : memref<20x125xi32, #tpu.memory_space<vmem>>)
        tpu.yield
      }) : () -> ()
      %dma_start3A = arith.constant 0 : i32
      %dma_start3A_18 = arith.constant 0 : i32
      %dma_start3A_19 = tpu.memref_slice %arg12[%dma_start3A, %dma_start3A_18] : memref<20x125xi32, #tpu.memory_space<vmem>> -> memref<1x125xi32, #tpu.memory_space<vmem>>
      %dma_start3A_20 = tpu.memref_squeeze %dma_start3A_19 : memref<1x125xi32, #tpu.memory_space<vmem>> -> memref<125xi32, #tpu.memory_space<vmem>>
      %dma_start3A_21 = arith.constant 0 : i32
      %dma_start3A_22 = arith.constant 0 : i32
      %dma_start3A_23 = tpu.memref_slice %arg2[%dma_start3A_21, %dma_start3A_22] : memref<10000x64xf32, #tpu.memory_space<hbm>> -> memref<10000x64xf32, #tpu.memory_space<hbm>>
      tpu.enqueue_indirect_dma source(%dma_start3A_23 : memref<10000x64xf32, #tpu.memory_space<hbm>>) target(%arg14 : memref<125x64xf32, #tpu.memory_space<vmem>>) offsets(%dma_start3A_20 : memref<125xi32, #tpu.memory_space<vmem>>) semaphore(%arg20 : memref<!tpu.dma_semaphore, #tpu.memory_space<semaphore_mem>>)
      %dma_start3A_24 = arith.constant 0 : i32
      %dma_start3A_25 = arith.constant 0 : i32
      %dma_start3A_26 = tpu.memref_slice %arg13[%dma_start3A_24, %dma_start3A_25] : memref<20x125xi32, #tpu.memory_space<vmem>> -> memref<1x125xi32, #tpu.memory_space<vmem>>
      %dma_start3A_27 = tpu.memref_squeeze %dma_start3A_26 : memref<1x125xi32, #tpu.memory_space<vmem>> -> memref<125xi32, #tpu.memory_space<vmem>>
      %dma_start3A_28 = arith.constant 0 : i32
      %dma_start3A_29 = arith.constant 0 : i32
      %dma_start3A_30 = tpu.memref_slice %arg3[%dma_start3A_28, %dma_start3A_29] : memref<10000x64xf32, #tpu.memory_space<hbm>> -> memref<10000x64xf32, #tpu.memory_space<hbm>>
      tpu.enqueue_indirect_dma source(%dma_start3A_30 : memref<10000x64xf32, #tpu.memory_space<hbm>>) target(%arg15 : memref<125x64xf32, #tpu.memory_space<vmem>>) offsets(%dma_start3A_27 : memref<125xi32, #tpu.memory_space<vmem>>) semaphore(%arg21 : memref<!tpu.dma_semaphore, #tpu.memory_space<semaphore_mem>>)
      %scan3A_31 = arith.constant 0 : i32
      %scan3A_32 = arith.constant 0 : i32
      %scan3A_33 = arith.constant 10 : i32
      %scan3A_34 = arith.addi %scan3A_32, %scan3A_33 : i32
      %scan3A_35 = arith.constant 1 : i32
      scf.for %scan3A_37 = %scan3A_32 to %scan3A_34 step %scan3A_35  : i32 {
        %mul3A_38 = arith.constant 2 : i32
        %mul3A_39 = arith.muli %mul3A_38, %scan3A_37 : i32
        %add3A_40 = arith.constant 1 : i32
        %add3A_41 = arith.addi %mul3A_39, %add3A_40 : i32
        %dma_start3A_42 = arith.constant 0 : i32
        %dma_start3A_43 = tpu.memref_slice %arg12[%add3A_41, %dma_start3A_42] : memref<20x125xi32, #tpu.memory_space<vmem>> -> memref<1x125xi32, #tpu.memory_space<vmem>>
        %dma_start3A_44 = tpu.memref_squeeze %dma_start3A_43 : memref<1x125xi32, #tpu.memory_space<vmem>> -> memref<125xi32, #tpu.memory_space<vmem>>
        %dma_start3A_45 = arith.constant 0 : i32
        %dma_start3A_46 = arith.constant 0 : i32
        %dma_start3A_47 = tpu.memref_slice %arg2[%dma_start3A_45, %dma_start3A_46] : memref<10000x64xf32, #tpu.memory_space<hbm>> -> memref<10000x64xf32, #tpu.memory_space<hbm>>
        tpu.enqueue_indirect_dma source(%dma_start3A_47 : memref<10000x64xf32, #tpu.memory_space<hbm>>) target(%arg16 : memref<125x64xf32, #tpu.memory_space<vmem>>) offsets(%dma_start3A_44 : memref<125xi32, #tpu.memory_space<vmem>>) semaphore(%arg22 : memref<!tpu.dma_semaphore, #tpu.memory_space<semaphore_mem>>)
        %dma_start3A_48 = arith.constant 0 : i32
        %dma_start3A_49 = tpu.memref_slice %arg13[%add3A_41, %dma_start3A_48] : memref<20x125xi32, #tpu.memory_space<vmem>> -> memref<1x125xi32, #tpu.memory_space<vmem>>
        %dma_start3A_50 = tpu.memref_squeeze %dma_start3A_49 : memref<1x125xi32, #tpu.memory_space<vmem>> -> memref<125xi32, #tpu.memory_space<vmem>>
        %dma_start3A_51 = arith.constant 0 : i32
        %dma_start3A_52 = arith.constant 0 : i32
        %dma_start3A_53 = tpu.memref_slice %arg3[%dma_start3A_51, %dma_start3A_52] : memref<10000x64xf32, #tpu.memory_space<hbm>> -> memref<10000x64xf32, #tpu.memory_space<hbm>>
        tpu.enqueue_indirect_dma source(%dma_start3A_53 : memref<10000x64xf32, #tpu.memory_space<hbm>>) target(%arg17 : memref<125x64xf32, #tpu.memory_space<vmem>>) offsets(%dma_start3A_50 : memref<125xi32, #tpu.memory_space<vmem>>) semaphore(%arg23 : memref<!tpu.dma_semaphore, #tpu.memory_space<semaphore_mem>>)
        %dma_wait3A = arith.constant 0 : i32
        %dma_wait3A_54 = tpu.memref_slice %arg12[%mul3A_39, %dma_wait3A] : memref<20x125xi32, #tpu.memory_space<vmem>> -> memref<1x125xi32, #tpu.memory_space<vmem>>
        %dma_wait3A_55 = tpu.memref_squeeze %dma_wait3A_54 : memref<1x125xi32, #tpu.memory_space<vmem>> -> memref<125xi32, #tpu.memory_space<vmem>>
        %dma_wait3A_56 = arith.constant 0 : i32
        %dma_wait3A_57 = arith.constant 0 : i32
        %dma_wait3A_58 = tpu.memref_slice %arg2[%dma_wait3A_56, %dma_wait3A_57] : memref<10000x64xf32, #tpu.memory_space<hbm>> -> memref<10000x64xf32, #tpu.memory_space<hbm>>
        tpu.wait_indirect_dma semaphore(%arg20 : memref<!tpu.dma_semaphore, #tpu.memory_space<semaphore_mem>>) src(%dma_wait3A_58 : memref<10000x64xf32, #tpu.memory_space<hbm>>) dst(%arg14 : memref<125x64xf32, #tpu.memory_space<vmem>>)
        %dma_wait3A_59 = arith.constant 0 : i32
        %dma_wait3A_60 = tpu.memref_slice %arg13[%mul3A_39, %dma_wait3A_59] : memref<20x125xi32, #tpu.memory_space<vmem>> -> memref<1x125xi32, #tpu.memory_space<vmem>>
        %dma_wait3A_61 = tpu.memref_squeeze %dma_wait3A_60 : memref<1x125xi32, #tpu.memory_space<vmem>> -> memref<125xi32, #tpu.memory_space<vmem>>
        %dma_wait3A_62 = arith.constant 0 : i32
        %dma_wait3A_63 = arith.constant 0 : i32
        %dma_wait3A_64 = tpu.memref_slice %arg3[%dma_wait3A_62, %dma_wait3A_63] : memref<10000x64xf32, #tpu.memory_space<hbm>> -> memref<10000x64xf32, #tpu.memory_space<hbm>>
        tpu.wait_indirect_dma semaphore(%arg21 : memref<!tpu.dma_semaphore, #tpu.memory_space<semaphore_mem>>) src(%dma_wait3A_64 : memref<10000x64xf32, #tpu.memory_space<hbm>>) dst(%arg15 : memref<125x64xf32, #tpu.memory_space<vmem>>)
        %dma_start3A_65 = arith.constant 0 : i32
        %dma_start3A_66 = tpu.memref_slice %arg13[%mul3A_39, %dma_start3A_65] : memref<20x125xi32, #tpu.memory_space<vmem>> -> memref<1x125xi32, #tpu.memory_space<vmem>>
        %dma_start3A_67 = tpu.memref_squeeze %dma_start3A_66 : memref<1x125xi32, #tpu.memory_space<vmem>> -> memref<125xi32, #tpu.memory_space<vmem>>
        %dma_start3A_68 = arith.constant 0 : i32
        %dma_start3A_69 = arith.constant 0 : i32
        %dma_start3A_70 = tpu.memref_slice %arg18[%dma_start3A_68, %dma_start3A_69] : memref<10000x64xf32, #tpu.memory_space<vmem_shared>> -> memref<10000x64xf32, #tpu.memory_space<vmem_shared>>
        tpu.enqueue_indirect_dma source(%arg14 : memref<125x64xf32, #tpu.memory_space<vmem>>) target(%dma_start3A_70 : memref<10000x64xf32, #tpu.memory_space<vmem_shared>>) offsets(%dma_start3A_67 : memref<125xi32, #tpu.memory_space<vmem>>) semaphore(%arg24 : memref<!tpu.dma_semaphore, #tpu.memory_space<semaphore_mem>>) {add = true}
        %dma_start3A_71 = arith.constant 0 : i32
        %dma_start3A_72 = tpu.memref_slice %arg12[%mul3A_39, %dma_start3A_71] : memref<20x125xi32, #tpu.memory_space<vmem>> -> memref<1x125xi32, #tpu.memory_space<vmem>>
        %dma_start3A_73 = tpu.memref_squeeze %dma_start3A_72 : memref<1x125xi32, #tpu.memory_space<vmem>> -> memref<125xi32, #tpu.memory_space<vmem>>
        %dma_start3A_74 = arith.constant 0 : i32
        %dma_start3A_75 = arith.constant 0 : i32
        %dma_start3A_76 = tpu.memref_slice %arg19[%dma_start3A_74, %dma_start3A_75] : memref<10000x64xf32, #tpu.memory_space<vmem_shared>> -> memref<10000x64xf32, #tpu.memory_space<vmem_shared>>
        tpu.enqueue_indirect_dma source(%arg15 : memref<125x64xf32, #tpu.memory_space<vmem>>) target(%dma_start3A_76 : memref<10000x64xf32, #tpu.memory_space<vmem_shared>>) offsets(%dma_start3A_73 : memref<125xi32, #tpu.memory_space<vmem>>) semaphore(%arg24 : memref<!tpu.dma_semaphore, #tpu.memory_space<semaphore_mem>>) {add = true}
        %dma_start3A_77 = arith.constant 0 : i32
        %dma_start3A_78 = tpu.memref_slice %arg13[%mul3A_39, %dma_start3A_77] : memref<20x125xi32, #tpu.memory_space<vmem>> -> memref<1x125xi32, #tpu.memory_space<vmem>>
        %dma_start3A_79 = tpu.memref_squeeze %dma_start3A_78 : memref<1x125xi32, #tpu.memory_space<vmem>> -> memref<125xi32, #tpu.memory_space<vmem>>
        %dma_start3A_80 = arith.constant 0 : i32
        %dma_start3A_81 = arith.constant 0 : i32
        %dma_start3A_82 = tpu.memref_slice %arg28[%dma_start3A_80, %dma_start3A_81] : memref<10000x8xf32, #tpu.memory_space<vmem_shared>> -> memref<10000x8xf32, #tpu.memory_space<vmem_shared>>
        tpu.enqueue_indirect_dma source(%arg26 : memref<125x8xf32, #tpu.memory_space<vmem>>) target(%dma_start3A_82 : memref<10000x8xf32, #tpu.memory_space<vmem_shared>>) offsets(%dma_start3A_79 : memref<125xi32, #tpu.memory_space<vmem>>) semaphore(%arg24 : memref<!tpu.dma_semaphore, #tpu.memory_space<semaphore_mem>>) {add = true}
        %dma_start3A_83 = arith.constant 0 : i32
        %dma_start3A_84 = tpu.memref_slice %arg12[%mul3A_39, %dma_start3A_83] : memref<20x125xi32, #tpu.memory_space<vmem>> -> memref<1x125xi32, #tpu.memory_space<vmem>>
        %dma_start3A_85 = tpu.memref_squeeze %dma_start3A_84 : memref<1x125xi32, #tpu.memory_space<vmem>> -> memref<125xi32, #tpu.memory_space<vmem>>
        %dma_start3A_86 = arith.constant 0 : i32
        %dma_start3A_87 = arith.constant 0 : i32
        %dma_start3A_88 = tpu.memref_slice %arg28[%dma_start3A_86, %dma_start3A_87] : memref<10000x8xf32, #tpu.memory_space<vmem_shared>> -> memref<10000x8xf32, #tpu.memory_space<vmem_shared>>
        tpu.enqueue_indirect_dma source(%arg27 : memref<125x8xf32, #tpu.memory_space<vmem>>) target(%dma_start3A_88 : memref<10000x8xf32, #tpu.memory_space<vmem_shared>>) offsets(%dma_start3A_85 : memref<125xi32, #tpu.memory_space<vmem>>) semaphore(%arg24 : memref<!tpu.dma_semaphore, #tpu.memory_space<semaphore_mem>>) {add = true}
        %dma_wait3A_89 = arith.constant 0 : i32
        %dma_wait3A_90 = tpu.memref_slice %arg12[%add3A_41, %dma_wait3A_89] : memref<20x125xi32, #tpu.memory_space<vmem>> -> memref<1x125xi32, #tpu.memory_space<vmem>>
        %dma_wait3A_91 = tpu.memref_squeeze %dma_wait3A_90 : memref<1x125xi32, #tpu.memory_space<vmem>> -> memref<125xi32, #tpu.memory_space<vmem>>
        %dma_wait3A_92 = arith.constant 0 : i32
        %dma_wait3A_93 = arith.constant 0 : i32
        %dma_wait3A_94 = tpu.memref_slice %arg2[%dma_wait3A_92, %dma_wait3A_93] : memref<10000x64xf32, #tpu.memory_space<hbm>> -> memref<10000x64xf32, #tpu.memory_space<hbm>>
        tpu.wait_indirect_dma semaphore(%arg22 : memref<!tpu.dma_semaphore, #tpu.memory_space<semaphore_mem>>) src(%dma_wait3A_94 : memref<10000x64xf32, #tpu.memory_space<hbm>>) dst(%arg16 : memref<125x64xf32, #tpu.memory_space<vmem>>)
        %dma_wait3A_95 = arith.constant 0 : i32
        %dma_wait3A_96 = tpu.memref_slice %arg13[%add3A_41, %dma_wait3A_95] : memref<20x125xi32, #tpu.memory_space<vmem>> -> memref<1x125xi32, #tpu.memory_space<vmem>>
        %dma_wait3A_97 = tpu.memref_squeeze %dma_wait3A_96 : memref<1x125xi32, #tpu.memory_space<vmem>> -> memref<125xi32, #tpu.memory_space<vmem>>
        %dma_wait3A_98 = arith.constant 0 : i32
        %dma_wait3A_99 = arith.constant 0 : i32
        %dma_wait3A_100 = tpu.memref_slice %arg3[%dma_wait3A_98, %dma_wait3A_99] : memref<10000x64xf32, #tpu.memory_space<hbm>> -> memref<10000x64xf32, #tpu.memory_space<hbm>>
        tpu.wait_indirect_dma semaphore(%arg23 : memref<!tpu.dma_semaphore, #tpu.memory_space<semaphore_mem>>) src(%dma_wait3A_100 : memref<10000x64xf32, #tpu.memory_space<hbm>>) dst(%arg17 : memref<125x64xf32, #tpu.memory_space<vmem>>)
        %dma_start3A_101 = arith.constant 0 : i32
        %dma_start3A_102 = tpu.memref_slice %arg13[%add3A_41, %dma_start3A_101] : memref<20x125xi32, #tpu.memory_space<vmem>> -> memref<1x125xi32, #tpu.memory_space<vmem>>
        %dma_start3A_103 = tpu.memref_squeeze %dma_start3A_102 : memref<1x125xi32, #tpu.memory_space<vmem>> -> memref<125xi32, #tpu.memory_space<vmem>>
        %dma_start3A_104 = arith.constant 0 : i32
        %dma_start3A_105 = arith.constant 0 : i32
        %dma_start3A_106 = tpu.memref_slice %arg18[%dma_start3A_104, %dma_start3A_105] : memref<10000x64xf32, #tpu.memory_space<vmem_shared>> -> memref<10000x64xf32, #tpu.memory_space<vmem_shared>>
        tpu.enqueue_indirect_dma source(%arg16 : memref<125x64xf32, #tpu.memory_space<vmem>>) target(%dma_start3A_106 : memref<10000x64xf32, #tpu.memory_space<vmem_shared>>) offsets(%dma_start3A_103 : memref<125xi32, #tpu.memory_space<vmem>>) semaphore(%arg25 : memref<!tpu.dma_semaphore, #tpu.memory_space<semaphore_mem>>) {add = true}
        %dma_start3A_107 = arith.constant 0 : i32
        %dma_start3A_108 = tpu.memref_slice %arg12[%add3A_41, %dma_start3A_107] : memref<20x125xi32, #tpu.memory_space<vmem>> -> memref<1x125xi32, #tpu.memory_space<vmem>>
        %dma_start3A_109 = tpu.memref_squeeze %dma_start3A_108 : memref<1x125xi32, #tpu.memory_space<vmem>> -> memref<125xi32, #tpu.memory_space<vmem>>
        %dma_start3A_110 = arith.constant 0 : i32
        %dma_start3A_111 = arith.constant 0 : i32
        %dma_start3A_112 = tpu.memref_slice %arg19[%dma_start3A_110, %dma_start3A_111] : memref<10000x64xf32, #tpu.memory_space<vmem_shared>> -> memref<10000x64xf32, #tpu.memory_space<vmem_shared>>
        tpu.enqueue_indirect_dma source(%arg17 : memref<125x64xf32, #tpu.memory_space<vmem>>) target(%dma_start3A_112 : memref<10000x64xf32, #tpu.memory_space<vmem_shared>>) offsets(%dma_start3A_109 : memref<125xi32, #tpu.memory_space<vmem>>) semaphore(%arg25 : memref<!tpu.dma_semaphore, #tpu.memory_space<semaphore_mem>>) {add = true}
        %dma_start3A_113 = arith.constant 0 : i32
        %dma_start3A_114 = tpu.memref_slice %arg13[%add3A_41, %dma_start3A_113] : memref<20x125xi32, #tpu.memory_space<vmem>> -> memref<1x125xi32, #tpu.memory_space<vmem>>
        %dma_start3A_115 = tpu.memref_squeeze %dma_start3A_114 : memref<1x125xi32, #tpu.memory_space<vmem>> -> memref<125xi32, #tpu.memory_space<vmem>>
        %dma_start3A_116 = arith.constant 0 : i32
        %dma_start3A_117 = arith.constant 0 : i32
        %dma_start3A_118 = tpu.memref_slice %arg28[%dma_start3A_116, %dma_start3A_117] : memref<10000x8xf32, #tpu.memory_space<vmem_shared>> -> memref<10000x8xf32, #tpu.memory_space<vmem_shared>>
        tpu.enqueue_indirect_dma source(%arg26 : memref<125x8xf32, #tpu.memory_space<vmem>>) target(%dma_start3A_118 : memref<10000x8xf32, #tpu.memory_space<vmem_shared>>) offsets(%dma_start3A_115 : memref<125xi32, #tpu.memory_space<vmem>>) semaphore(%arg25 : memref<!tpu.dma_semaphore, #tpu.memory_space<semaphore_mem>>) {add = true}
        %dma_start3A_119 = arith.constant 0 : i32
        %dma_start3A_120 = tpu.memref_slice %arg12[%add3A_41, %dma_start3A_119] : memref<20x125xi32, #tpu.memory_space<vmem>> -> memref<1x125xi32, #tpu.memory_space<vmem>>
        %dma_start3A_121 = tpu.memref_squeeze %dma_start3A_120 : memref<1x125xi32, #tpu.memory_space<vmem>> -> memref<125xi32, #tpu.memory_space<vmem>>
        %dma_start3A_122 = arith.constant 0 : i32
        %dma_start3A_123 = arith.constant 0 : i32
        %dma_start3A_124 = tpu.memref_slice %arg28[%dma_start3A_122, %dma_start3A_123] : memref<10000x8xf32, #tpu.memory_space<vmem_shared>> -> memref<10000x8xf32, #tpu.memory_space<vmem_shared>>
        tpu.enqueue_indirect_dma source(%arg27 : memref<125x8xf32, #tpu.memory_space<vmem>>) target(%dma_start3A_124 : memref<10000x8xf32, #tpu.memory_space<vmem_shared>>) offsets(%dma_start3A_121 : memref<125xi32, #tpu.memory_space<vmem>>) semaphore(%arg25 : memref<!tpu.dma_semaphore, #tpu.memory_space<semaphore_mem>>) {add = true}
        %dma_wait3A_125 = arith.constant 0 : i32
        %dma_wait3A_126 = tpu.memref_slice %arg13[%mul3A_39, %dma_wait3A_125] : memref<20x125xi32, #tpu.memory_space<vmem>> -> memref<1x125xi32, #tpu.memory_space<vmem>>
        %dma_wait3A_127 = tpu.memref_squeeze %dma_wait3A_126 : memref<1x125xi32, #tpu.memory_space<vmem>> -> memref<125xi32, #tpu.memory_space<vmem>>
        %dma_wait3A_128 = arith.constant 0 : i32
        %dma_wait3A_129 = arith.constant 0 : i32
        %dma_wait3A_130 = tpu.memref_slice %arg18[%dma_wait3A_128, %dma_wait3A_129] : memref<10000x64xf32, #tpu.memory_space<vmem_shared>> -> memref<10000x64xf32, #tpu.memory_space<vmem_shared>>
        tpu.wait_indirect_dma semaphore(%arg24 : memref<!tpu.dma_semaphore, #tpu.memory_space<semaphore_mem>>) src(%arg14 : memref<125x64xf32, #tpu.memory_space<vmem>>) dst(%dma_wait3A_130 : memref<10000x64xf32, #tpu.memory_space<vmem_shared>>)
        %dma_wait3A_131 = arith.constant 0 : i32
        %dma_wait3A_132 = tpu.memref_slice %arg12[%mul3A_39, %dma_wait3A_131] : memref<20x125xi32, #tpu.memory_space<vmem>> -> memref<1x125xi32, #tpu.memory_space<vmem>>
        %dma_wait3A_133 = tpu.memref_squeeze %dma_wait3A_132 : memref<1x125xi32, #tpu.memory_space<vmem>> -> memref<125xi32, #tpu.memory_space<vmem>>
        %dma_wait3A_134 = arith.constant 0 : i32
        %dma_wait3A_135 = arith.constant 0 : i32
        %dma_wait3A_136 = tpu.memref_slice %arg19[%dma_wait3A_134, %dma_wait3A_135] : memref<10000x64xf32, #tpu.memory_space<vmem_shared>> -> memref<10000x64xf32, #tpu.memory_space<vmem_shared>>
        tpu.wait_indirect_dma semaphore(%arg24 : memref<!tpu.dma_semaphore, #tpu.memory_space<semaphore_mem>>) src(%arg15 : memref<125x64xf32, #tpu.memory_space<vmem>>) dst(%dma_wait3A_136 : memref<10000x64xf32, #tpu.memory_space<vmem_shared>>)
        %dma_wait3A_137 = arith.constant 0 : i32
        %dma_wait3A_138 = tpu.memref_slice %arg13[%mul3A_39, %dma_wait3A_137] : memref<20x125xi32, #tpu.memory_space<vmem>> -> memref<1x125xi32, #tpu.memory_space<vmem>>
        %dma_wait3A_139 = tpu.memref_squeeze %dma_wait3A_138 : memref<1x125xi32, #tpu.memory_space<vmem>> -> memref<125xi32, #tpu.memory_space<vmem>>
        %dma_wait3A_140 = arith.constant 0 : i32
        %dma_wait3A_141 = arith.constant 0 : i32
        %dma_wait3A_142 = tpu.memref_slice %arg28[%dma_wait3A_140, %dma_wait3A_141] : memref<10000x8xf32, #tpu.memory_space<vmem_shared>> -> memref<10000x8xf32, #tpu.memory_space<vmem_shared>>
        tpu.wait_indirect_dma semaphore(%arg24 : memref<!tpu.dma_semaphore, #tpu.memory_space<semaphore_mem>>) src(%arg26 : memref<125x8xf32, #tpu.memory_space<vmem>>) dst(%dma_wait3A_142 : memref<10000x8xf32, #tpu.memory_space<vmem_shared>>)
        %dma_wait3A_143 = arith.constant 0 : i32
        %dma_wait3A_144 = tpu.memref_slice %arg12[%mul3A_39, %dma_wait3A_143] : memref<20x125xi32, #tpu.memory_space<vmem>> -> memref<1x125xi32, #tpu.memory_space<vmem>>
        %dma_wait3A_145 = tpu.memref_squeeze %dma_wait3A_144 : memref<1x125xi32, #tpu.memory_space<vmem>> -> memref<125xi32, #tpu.memory_space<vmem>>
        %dma_wait3A_146 = arith.constant 0 : i32
        %dma_wait3A_147 = arith.constant 0 : i32
        %dma_wait3A_148 = tpu.memref_slice %arg28[%dma_wait3A_146, %dma_wait3A_147] : memref<10000x8xf32, #tpu.memory_space<vmem_shared>> -> memref<10000x8xf32, #tpu.memory_space<vmem_shared>>
        tpu.wait_indirect_dma semaphore(%arg24 : memref<!tpu.dma_semaphore, #tpu.memory_space<semaphore_mem>>) src(%arg27 : memref<125x8xf32, #tpu.memory_space<vmem>>) dst(%dma_wait3A_148 : memref<10000x8xf32, #tpu.memory_space<vmem_shared>>)
        %add3A_149 = arith.constant 1 : i32
        %add3A_150 = arith.addi %scan3A_37, %add3A_149 : i32
        %lt3A = arith.constant 10 : i32
        %lt3A_151 = arith.cmpi slt, %add3A_150, %lt3A : i32
        %convert_element_type3A = arith.extui %lt3A_151 : i1 to i32
        %cond3A = arith.constant 0 : i32
        %cond3A_152 = arith.cmpi ne, %convert_element_type3A, %cond3A : i32
        scf.if %cond3A_152 {
          %add3A_177 = arith.constant 2 : i32
          %add3A_178 = arith.addi %mul3A_39, %add3A_177 : i32
          %dma_start3A_179 = arith.constant 0 : i32
          %dma_start3A_180 = tpu.memref_slice %arg12[%add3A_178, %dma_start3A_179] : memref<20x125xi32, #tpu.memory_space<vmem>> -> memref<1x125xi32, #tpu.memory_space<vmem>>
          %dma_start3A_181 = tpu.memref_squeeze %dma_start3A_180 : memref<1x125xi32, #tpu.memory_space<vmem>> -> memref<125xi32, #tpu.memory_space<vmem>>
          %dma_start3A_182 = arith.constant 0 : i32
          %dma_start3A_183 = arith.constant 0 : i32
          %dma_start3A_184 = tpu.memref_slice %arg2[%dma_start3A_182, %dma_start3A_183] : memref<10000x64xf32, #tpu.memory_space<hbm>> -> memref<10000x64xf32, #tpu.memory_space<hbm>>
          tpu.enqueue_indirect_dma source(%dma_start3A_184 : memref<10000x64xf32, #tpu.memory_space<hbm>>) target(%arg14 : memref<125x64xf32, #tpu.memory_space<vmem>>) offsets(%dma_start3A_181 : memref<125xi32, #tpu.memory_space<vmem>>) semaphore(%arg20 : memref<!tpu.dma_semaphore, #tpu.memory_space<semaphore_mem>>)
          %dma_start3A_185 = arith.constant 0 : i32
          %dma_start3A_186 = tpu.memref_slice %arg13[%add3A_178, %dma_start3A_185] : memref<20x125xi32, #tpu.memory_space<vmem>> -> memref<1x125xi32, #tpu.memory_space<vmem>>
          %dma_start3A_187 = tpu.memref_squeeze %dma_start3A_186 : memref<1x125xi32, #tpu.memory_space<vmem>> -> memref<125xi32, #tpu.memory_space<vmem>>
          %dma_start3A_188 = arith.constant 0 : i32
          %dma_start3A_189 = arith.constant 0 : i32
          %dma_start3A_190 = tpu.memref_slice %arg3[%dma_start3A_188, %dma_start3A_189] : memref<10000x64xf32, #tpu.memory_space<hbm>> -> memref<10000x64xf32, #tpu.memory_space<hbm>>
          tpu.enqueue_indirect_dma source(%dma_start3A_190 : memref<10000x64xf32, #tpu.memory_space<hbm>>) target(%arg15 : memref<125x64xf32, #tpu.memory_space<vmem>>) offsets(%dma_start3A_187 : memref<125xi32, #tpu.memory_space<vmem>>) semaphore(%arg21 : memref<!tpu.dma_semaphore, #tpu.memory_space<semaphore_mem>>)
        } else {
        }
        %dma_wait3A_153 = arith.constant 0 : i32
        %dma_wait3A_154 = tpu.memref_slice %arg13[%add3A_41, %dma_wait3A_153] : memref<20x125xi32, #tpu.memory_space<vmem>> -> memref<1x125xi32, #tpu.memory_space<vmem>>
        %dma_wait3A_155 = tpu.memref_squeeze %dma_wait3A_154 : memref<1x125xi32, #tpu.memory_space<vmem>> -> memref<125xi32, #tpu.memory_space<vmem>>
        %dma_wait3A_156 = arith.constant 0 : i32
        %dma_wait3A_157 = arith.constant 0 : i32
        %dma_wait3A_158 = tpu.memref_slice %arg18[%dma_wait3A_156, %dma_wait3A_157] : memref<10000x64xf32, #tpu.memory_space<vmem_shared>> -> memref<10000x64xf32, #tpu.memory_space<vmem_shared>>
        tpu.wait_indirect_dma semaphore(%arg25 : memref<!tpu.dma_semaphore, #tpu.memory_space<semaphore_mem>>) src(%arg16 : memref<125x64xf32, #tpu.memory_space<vmem>>) dst(%dma_wait3A_158 : memref<10000x64xf32, #tpu.memory_space<vmem_shared>>)
        %dma_wait3A_159 = arith.constant 0 : i32
        %dma_wait3A_160 = tpu.memref_slice %arg12[%add3A_41, %dma_wait3A_159] : memref<20x125xi32, #tpu.memory_space<vmem>> -> memref<1x125xi32, #tpu.memory_space<vmem>>
        %dma_wait3A_161 = tpu.memref_squeeze %dma_wait3A_160 : memref<1x125xi32, #tpu.memory_space<vmem>> -> memref<125xi32, #tpu.memory_space<vmem>>
        %dma_wait3A_162 = arith.constant 0 : i32
        %dma_wait3A_163 = arith.constant 0 : i32
        %dma_wait3A_164 = tpu.memref_slice %arg19[%dma_wait3A_162, %dma_wait3A_163] : memref<10000x64xf32, #tpu.memory_space<vmem_shared>> -> memref<10000x64xf32, #tpu.memory_space<vmem_shared>>
        tpu.wait_indirect_dma semaphore(%arg25 : memref<!tpu.dma_semaphore, #tpu.memory_space<semaphore_mem>>) src(%arg17 : memref<125x64xf32, #tpu.memory_space<vmem>>) dst(%dma_wait3A_164 : memref<10000x64xf32, #tpu.memory_space<vmem_shared>>)
        %dma_wait3A_165 = arith.constant 0 : i32
        %dma_wait3A_166 = tpu.memref_slice %arg13[%add3A_41, %dma_wait3A_165] : memref<20x125xi32, #tpu.memory_space<vmem>> -> memref<1x125xi32, #tpu.memory_space<vmem>>
        %dma_wait3A_167 = tpu.memref_squeeze %dma_wait3A_166 : memref<1x125xi32, #tpu.memory_space<vmem>> -> memref<125xi32, #tpu.memory_space<vmem>>
        %dma_wait3A_168 = arith.constant 0 : i32
        %dma_wait3A_169 = arith.constant 0 : i32
        %dma_wait3A_170 = tpu.memref_slice %arg28[%dma_wait3A_168, %dma_wait3A_169] : memref<10000x8xf32, #tpu.memory_space<vmem_shared>> -> memref<10000x8xf32, #tpu.memory_space<vmem_shared>>
        tpu.wait_indirect_dma semaphore(%arg25 : memref<!tpu.dma_semaphore, #tpu.memory_space<semaphore_mem>>) src(%arg26 : memref<125x8xf32, #tpu.memory_space<vmem>>) dst(%dma_wait3A_170 : memref<10000x8xf32, #tpu.memory_space<vmem_shared>>)
        %dma_wait3A_171 = arith.constant 0 : i32
        %dma_wait3A_172 = tpu.memref_slice %arg12[%add3A_41, %dma_wait3A_171] : memref<20x125xi32, #tpu.memory_space<vmem>> -> memref<1x125xi32, #tpu.memory_space<vmem>>
        %dma_wait3A_173 = tpu.memref_squeeze %dma_wait3A_172 : memref<1x125xi32, #tpu.memory_space<vmem>> -> memref<125xi32, #tpu.memory_space<vmem>>
        %dma_wait3A_174 = arith.constant 0 : i32
        %dma_wait3A_175 = arith.constant 0 : i32
        %dma_wait3A_176 = tpu.memref_slice %arg28[%dma_wait3A_174, %dma_wait3A_175] : memref<10000x8xf32, #tpu.memory_space<vmem_shared>> -> memref<10000x8xf32, #tpu.memory_space<vmem_shared>>
        tpu.wait_indirect_dma semaphore(%arg25 : memref<!tpu.dma_semaphore, #tpu.memory_space<semaphore_mem>>) src(%arg27 : memref<125x8xf32, #tpu.memory_space<vmem>>) dst(%dma_wait3A_176 : memref<10000x8xf32, #tpu.memory_space<vmem_shared>>)
      }
      %scan3A_36 = arith.constant 10 : i32
    }
    %scan3A_8 = arith.constant 4 : i32
    %barrier3A_9 = arith.constant 0 : index
    tpu.barrier barrier_id(%barrier3A_9)
    %mul3A_10 = arith.constant 10000 : i32
    %mul3A_11 = arith.muli %arg0, %mul3A_10 : i32
    %add3A_12 = arith.addi %mul3A_11, %mul3A_2 : i32
    "tpu.region"() ({
      %run_scoped3A_13 = tpu.sem_alloc : memref<!tpu.dma_semaphore, #tpu.memory_space<semaphore_mem>>
      %dma_start3A = arith.constant 0 : i32
      %dma_start3A_14 = tpu.memref_slice %arg9[%add3A_12, %dma_start3A] : memref<20000x64xf32, #tpu.memory_space<hbm>> -> memref<625x64xf32, #tpu.memory_space<hbm>>
      %dma_start3A_15 = arith.constant 0 : i32
      %dma_start3A_16 = tpu.memref_slice %arg18[%mul3A_2, %dma_start3A_15] : memref<10000x64xf32, #tpu.memory_space<vmem_shared>> -> memref<625x64xf32, #tpu.memory_space<vmem_shared>>
      tpu.enqueue_dma source(%dma_start3A_16 : memref<625x64xf32, #tpu.memory_space<vmem_shared>>) target(%dma_start3A_14 : memref<625x64xf32, #tpu.memory_space<hbm>>) target_semaphore(%run_scoped3A_13 : memref<!tpu.dma_semaphore, #tpu.memory_space<semaphore_mem>>)
      %dma_wait3A = arith.constant 0 : i32
      %dma_wait3A_17 = tpu.memref_slice %arg9[%add3A_12, %dma_wait3A] : memref<20000x64xf32, #tpu.memory_space<hbm>> -> memref<625x64xf32, #tpu.memory_space<hbm>>
      %dma_wait3A_18 = arith.constant 0 : i32
      %dma_wait3A_19 = tpu.memref_slice %arg18[%mul3A_2, %dma_wait3A_18] : memref<10000x64xf32, #tpu.memory_space<vmem_shared>> -> memref<625x64xf32, #tpu.memory_space<vmem_shared>>
      tpu.wait_dma2 semaphore(%run_scoped3A_13 : memref<!tpu.dma_semaphore, #tpu.memory_space<semaphore_mem>>) src(%dma_wait3A_19 : memref<625x64xf32, #tpu.memory_space<vmem_shared>>) dst(%dma_wait3A_17 : memref<625x64xf32, #tpu.memory_space<hbm>>)
      tpu.yield
    }) : () -> ()
    "tpu.region"() ({
      %run_scoped3A_13 = tpu.sem_alloc : memref<!tpu.dma_semaphore, #tpu.memory_space<semaphore_mem>>
      %dma_start3A = arith.constant 0 : i32
      %dma_start3A_14 = tpu.memref_slice %arg10[%add3A_12, %dma_start3A] : memref<20000x64xf32, #tpu.memory_space<hbm>> -> memref<625x64xf32, #tpu.memory_space<hbm>>
      %dma_start3A_15 = arith.constant 0 : i32
      %dma_start3A_16 = tpu.memref_slice %arg19[%mul3A_2, %dma_start3A_15] : memref<10000x64xf32, #tpu.memory_space<vmem_shared>> -> memref<625x64xf32, #tpu.memory_space<vmem_shared>>
      tpu.enqueue_dma source(%dma_start3A_16 : memref<625x64xf32, #tpu.memory_space<vmem_shared>>) target(%dma_start3A_14 : memref<625x64xf32, #tpu.memory_space<hbm>>) target_semaphore(%run_scoped3A_13 : memref<!tpu.dma_semaphore, #tpu.memory_space<semaphore_mem>>)
      %dma_wait3A = arith.constant 0 : i32
      %dma_wait3A_17 = tpu.memref_slice %arg10[%add3A_12, %dma_wait3A] : memref<20000x64xf32, #tpu.memory_space<hbm>> -> memref<625x64xf32, #tpu.memory_space<hbm>>
      %dma_wait3A_18 = arith.constant 0 : i32
      %dma_wait3A_19 = tpu.memref_slice %arg19[%mul3A_2, %dma_wait3A_18] : memref<10000x64xf32, #tpu.memory_space<vmem_shared>> -> memref<625x64xf32, #tpu.memory_space<vmem_shared>>
      tpu.wait_dma2 semaphore(%run_scoped3A_13 : memref<!tpu.dma_semaphore, #tpu.memory_space<semaphore_mem>>) src(%dma_wait3A_19 : memref<625x64xf32, #tpu.memory_space<vmem_shared>>) dst(%dma_wait3A_17 : memref<625x64xf32, #tpu.memory_space<hbm>>)
      tpu.yield
    }) : () -> ()
    "tpu.region"() ({
      %run_scoped3A_13 = tpu.sem_alloc : memref<!tpu.dma_semaphore, #tpu.memory_space<semaphore_mem>>
      %dma_start3A = arith.constant 0 : i32
      %dma_start3A_14 = tpu.memref_slice %arg11[%add3A_12, %dma_start3A] : memref<20000x8xf32, #tpu.memory_space<hbm>> -> memref<625x8xf32, #tpu.memory_space<hbm>>
      %dma_start3A_15 = arith.constant 0 : i32
      %dma_start3A_16 = tpu.memref_slice %arg28[%mul3A_2, %dma_start3A_15] : memref<10000x8xf32, #tpu.memory_space<vmem_shared>> -> memref<625x8xf32, #tpu.memory_space<vmem_shared>>
      tpu.enqueue_dma source(%dma_start3A_16 : memref<625x8xf32, #tpu.memory_space<vmem_shared>>) target(%dma_start3A_14 : memref<625x8xf32, #tpu.memory_space<hbm>>) target_semaphore(%run_scoped3A_13 : memref<!tpu.dma_semaphore, #tpu.memory_space<semaphore_mem>>)
      %dma_wait3A = arith.constant 0 : i32
      %dma_wait3A_17 = tpu.memref_slice %arg11[%add3A_12, %dma_wait3A] : memref<20000x8xf32, #tpu.memory_space<hbm>> -> memref<625x8xf32, #tpu.memory_space<hbm>>
      %dma_wait3A_18 = arith.constant 0 : i32
      %dma_wait3A_19 = tpu.memref_slice %arg28[%mul3A_2, %dma_wait3A_18] : memref<10000x8xf32, #tpu.memory_space<vmem_shared>> -> memref<625x8xf32, #tpu.memory_space<vmem_shared>>
      tpu.wait_dma2 semaphore(%run_scoped3A_13 : memref<!tpu.dma_semaphore, #tpu.memory_space<semaphore_mem>>) src(%dma_wait3A_19 : memref<625x8xf32, #tpu.memory_space<vmem_shared>>) dst(%dma_wait3A_17 : memref<625x8xf32, #tpu.memory_space<hbm>>)
      tpu.yield
    }) : () -> ()
    return
  }
}

module attributes {stable_mosaic.version = 14 : i64} {
  func.func @_tc_pre(%arg0: memref<10000x128xf32, #tpu.memory_space<vmem>>, %arg1: memref<128x64xf32, #tpu.memory_space<vmem>>, %arg2: memref<128x64xf32, #tpu.memory_space<vmem>>, %arg3: memref<128x64xf32, #tpu.memory_space<vmem>>, %arg4: memref<128x64xf32, #tpu.memory_space<vmem>>, %arg5: memref<64xf32, #tpu.memory_space<vmem>>, %arg6: memref<64xf32, #tpu.memory_space<vmem>>, %arg7: memref<10000x64xf32, #tpu.memory_space<vmem>>, %arg8: memref<10000x64xf32, #tpu.memory_space<vmem>>, %arg9: memref<10000x64xf32, #tpu.memory_space<vmem>>) attributes {dimension_semantics = [], scalar_prefetch = 0 : i64, scratch_operands = 0 : i64, tpu.core_type = #tpu.core_type<tc>} {
    %get3A = arith.constant 0 : index
    %get3A_0 = arith.constant 0 : index
    %get3A_1 = vector.load %arg0[%get3A, %get3A_0] : memref<10000x128xf32, #tpu.memory_space<vmem>>, vector<10000x128xf32>
    %get3A_2 = arith.constant 0 : index
    %get3A_3 = arith.constant 0 : index
    %get3A_4 = vector.load %arg1[%get3A_2, %get3A_3] : memref<128x64xf32, #tpu.memory_space<vmem>>, vector<128x64xf32>
    %dot_general3A = arith.constant dense<0.000000e+00> : vector<10000x64xf32>
    %dot_general3A_5 = tpu.matmul %get3A_1, %get3A_4, %dot_general3A {dimension_numbers = #tpu.dot_dimension_numbers<[1], [0], [0], [1], [0, 0, 1, 1], [], []>, transpose_lhs_hint = false} : vector<10000x128xf32>, vector<128x64xf32>, vector<10000x64xf32> -> vector<10000x64xf32>
    %swap3A = arith.constant 0 : index
    %swap3A_6 = arith.constant 0 : index
    %swap3A_7 = vector.load %arg7[%swap3A, %swap3A_6] : memref<10000x64xf32, #tpu.memory_space<vmem>>, vector<10000x64xf32>
    tpu.vector_store %arg7[%swap3A, %swap3A_6], %dot_general3A_5 {strides = array<i32>} : memref<10000x64xf32, #tpu.memory_space<vmem>>, vector<10000x64xf32>,
    %get3A_8 = arith.constant 0 : index
    %get3A_9 = arith.constant 0 : index
    %get3A_10 = vector.load %arg2[%get3A_8, %get3A_9] : memref<128x64xf32, #tpu.memory_space<vmem>>, vector<128x64xf32>
    %dot_general3A_11 = arith.constant dense<0.000000e+00> : vector<10000x64xf32>
    %dot_general3A_12 = tpu.matmul %get3A_1, %get3A_10, %dot_general3A_11 {dimension_numbers = #tpu.dot_dimension_numbers<[1], [0], [0], [1], [0, 0, 1, 1], [], []>, transpose_lhs_hint = false} : vector<10000x128xf32>, vector<128x64xf32>, vector<10000x64xf32> -> vector<10000x64xf32>
    %swap3A_13 = arith.constant 0 : index
    %swap3A_14 = arith.constant 0 : index
    %swap3A_15 = vector.load %arg8[%swap3A_13, %swap3A_14] : memref<10000x64xf32, #tpu.memory_space<vmem>>, vector<10000x64xf32>
    tpu.vector_store %arg8[%swap3A_13, %swap3A_14], %dot_general3A_12 {strides = array<i32>} : memref<10000x64xf32, #tpu.memory_space<vmem>>, vector<10000x64xf32>,
    %get3A_16 = arith.constant 0 : index
    %get3A_17 = arith.constant 0 : index
    %get3A_18 = vector.load %arg3[%get3A_16, %get3A_17] : memref<128x64xf32, #tpu.memory_space<vmem>>, vector<128x64xf32>
    %get3A_19 = arith.constant 0 : index
    %get3A_20 = arith.constant 0 : index
    %get3A_21 = vector.load %arg4[%get3A_19, %get3A_20] : memref<128x64xf32, #tpu.memory_space<vmem>>, vector<128x64xf32>
    %add3A = arith.addf %get3A_18, %get3A_21 : vector<128x64xf32>
    %dot_general3A_22 = arith.constant dense<0.000000e+00> : vector<10000x64xf32>
    %dot_general3A_23 = tpu.matmul %get3A_1, %add3A, %dot_general3A_22 {dimension_numbers = #tpu.dot_dimension_numbers<[1], [0], [0], [1], [0, 0, 1, 1], [], []>, transpose_lhs_hint = false} : vector<10000x128xf32>, vector<128x64xf32>, vector<10000x64xf32> -> vector<10000x64xf32>
    %get3A_24 = arith.constant 0 : index
    %get3A_25 = vector.load %arg5[%get3A_24] : memref<64xf32, #tpu.memory_space<vmem>>, vector<64xf32>
    %broadcast_in_dim3A = vector.shape_cast %get3A_25 : vector<64xf32> to vector<1x64xf32>
    %add3A_26 = vector.broadcast %broadcast_in_dim3A : vector<1x64xf32> to vector<10000x64xf32>
    %add3A_27 = arith.addf %dot_general3A_23, %add3A_26 : vector<10000x64xf32>
    %get3A_28 = arith.constant 0 : index
    %get3A_29 = vector.load %arg6[%get3A_28] : memref<64xf32, #tpu.memory_space<vmem>>, vector<64xf32>
    %broadcast_in_dim3A_30 = vector.shape_cast %get3A_29 : vector<64xf32> to vector<1x64xf32>
    %add3A_31 = vector.broadcast %broadcast_in_dim3A_30 : vector<1x64xf32> to vector<10000x64xf32>
    %add3A_32 = arith.addf %add3A_27, %add3A_31 : vector<10000x64xf32>
    %swap3A_33 = arith.constant 0 : index
    %swap3A_34 = arith.constant 0 : index
    %swap3A_35 = vector.load %arg9[%swap3A_33, %swap3A_34] : memref<10000x64xf32, #tpu.memory_space<vmem>>, vector<10000x64xf32>
    tpu.vector_store %arg9[%swap3A_33, %swap3A_34], %add3A_32 {strides = array<i32>} : memref<10000x64xf32, #tpu.memory_space<vmem>>, vector<10000x64xf32>,
    return
  }
}

module attributes {stable_mosaic.version = 14 : i64} {
  func.func @_tc_mid(%arg0: i32, %arg1: i32, %arg2: memref<1000x64xf32, #tpu.memory_space<vmem>>, %arg3: memref<1000x64xf32, #tpu.memory_space<vmem>>, %arg4: memref<1000x64xf32, #tpu.memory_space<vmem>>, %arg5: memref<1000x64xf32, #tpu.memory_space<vmem>>, %arg6: memref<1000x8xf32, #tpu.memory_space<vmem>>, %arg7: memref<1000x8xf32, #tpu.memory_space<vmem>>, %arg8: memref<1000x64xf32, #tpu.memory_space<vmem>>, %arg9: memref<1x64xf32, #tpu.memory_space<vmem>>, %arg10: memref<1x64xf32, #tpu.memory_space<vmem>>, %arg11: memref<64x64xf32, #tpu.memory_space<vmem>>, %arg12: memref<64x64xf32, #tpu.memory_space<vmem>>, %arg13: memref<64x64xf32, #tpu.memory_space<vmem>>, %arg14: memref<64x64xf32, #tpu.memory_space<vmem>>, %arg15: memref<1x64xf32, #tpu.memory_space<vmem>>, %arg16: memref<1x64xf32, #tpu.memory_space<vmem>>, %arg17: memref<1000x64xf32, #tpu.memory_space<vmem>>, %arg18: memref<1000x64xf32, #tpu.memory_space<vmem>>, %arg19: memref<1000x64xf32, #tpu.memory_space<vmem>>, %arg20: memref<10000x64xf32, #tpu.memory_space<vmem>>, %arg21: memref<2x64xf32, #tpu.memory_space<vmem>>) attributes {dimension_semantics = [#tpu.dimension_semantics<arbitrary>, #tpu.dimension_semantics<arbitrary>], iteration_bounds = array<i64: 2, 10>, scalar_prefetch = 0 : i64, scratch_operands = 2 : i64, tpu.core_type = #tpu.core_type<tc>, window_params = [{transform_indices = @transform_0, window_bounds = array<i64: 1000, 64>}, {transform_indices = @transform_1, window_bounds = array<i64: 1000, 64>}, {transform_indices = @transform_2, window_bounds = array<i64: 1000, 64>}, {transform_indices = @transform_3, window_bounds = array<i64: 1000, 64>}, {transform_indices = @transform_4, window_bounds = array<i64: 1000, 8>}, {transform_indices = @transform_5, window_bounds = array<i64: 1000, 8>}, {transform_indices = @transform_6, window_bounds = array<i64: 1000, 64>}, {pipeline_mode = #tpu.pipeline_mode<synchronous>, transform_indices = @transform_7, window_bounds = array<i64: 1, 64>}, {pipeline_mode = #tpu.pipeline_mode<synchronous>, transform_indices = @transform_8, window_bounds = array<i64: 1, 64>}, {pipeline_mode = #tpu.pipeline_mode<synchronous>, transform_indices = @transform_9, window_bounds = array<i64: 64, 64>}, {pipeline_mode = #tpu.pipeline_mode<synchronous>, transform_indices = @transform_10, window_bounds = array<i64: 64, 64>}, {pipeline_mode = #tpu.pipeline_mode<synchronous>, transform_indices = @transform_11, window_bounds = array<i64: 64, 64>}, {pipeline_mode = #tpu.pipeline_mode<synchronous>, transform_indices = @transform_12, window_bounds = array<i64: 64, 64>}, {pipeline_mode = #tpu.pipeline_mode<synchronous>, transform_indices = @transform_13, window_bounds = array<i64: 1, 64>}, {pipeline_mode = #tpu.pipeline_mode<synchronous>, transform_indices = @transform_14, window_bounds = array<i64: 1, 64>}, {transform_indices = @transform_15, window_bounds = array<i64: 1000, 64>}, {transform_indices = @transform_16, window_bounds = array<i64: 1000, 64>}, {transform_indices = @transform_17, window_bounds = array<i64: 1000, 64>}]} {
    %eq3A = arith.constant 0 : i32
    %eq3A_0 = arith.cmpi eq, %arg0, %eq3A : i32
    %convert_element_type3A = arith.extui %eq3A_0 : i1 to i32
    %cond3A = arith.constant 0 : i32
    %cond3A_1 = arith.cmpi ne, %convert_element_type3A, %cond3A : i32
    scf.if %cond3A_1 {
      %get3A = arith.constant 0 : index
      %get3A_7 = arith.constant 0 : index
      %get3A_8 = vector.load %arg6[%get3A, %get3A_7] : memref<1000x8xf32, #tpu.memory_space<vmem>>, vector<1000x1xf32>
      %get3A_9 = arith.constant 0 : index
      %get3A_10 = arith.constant 0 : index
      %get3A_11 = vector.load %arg7[%get3A_9, %get3A_10] : memref<1000x8xf32, #tpu.memory_space<vmem>>, vector<1000x1xf32>
      %add3A = arith.addf %get3A_8, %get3A_11 : vector<1000x1xf32>
      %get3A_12 = arith.constant 0 : index
      %get3A_13 = arith.constant 1 : index
      %get3A_14 = vector.load %arg6[%get3A_12, %get3A_13] : memref<1000x8xf32, #tpu.memory_space<vmem>>, vector<1000x1xf32>
      %get3A_15 = arith.constant 0 : index
      %get3A_16 = arith.constant 1 : index
      %get3A_17 = vector.load %arg7[%get3A_15, %get3A_16] : memref<1000x8xf32, #tpu.memory_space<vmem>>, vector<1000x1xf32>
      %add3A_18 = arith.addf %get3A_14, %get3A_17 : vector<1000x1xf32>
      %get3A_19 = arith.constant 0 : index
      %get3A_20 = arith.constant 0 : index
      %get3A_21 = vector.load %arg2[%get3A_19, %get3A_20] : memref<1000x64xf32, #tpu.memory_space<vmem>>, vector<1000x64xf32>
      %get3A_22 = arith.constant 0 : index
      %get3A_23 = arith.constant 0 : index
      %get3A_24 = vector.load %arg3[%get3A_22, %get3A_23] : memref<1000x64xf32, #tpu.memory_space<vmem>>, vector<1000x64xf32>
      %add3A_25 = arith.addf %get3A_21, %get3A_24 : vector<1000x64xf32>
      %max3A = arith.constant 1.000000e+00 : f32
      %max3A_26 = vector.broadcast %max3A : f32 to vector<1000x1xf32>
      %max3A_27 = arith.maximumf %add3A, %max3A_26 : vector<1000x1xf32>
      %div3A = vector.broadcast %max3A_27 : vector<1000x1xf32> to vector<1000x64xf32>
      %div3A_28 = arith.divf %add3A_25, %div3A : vector<1000x64xf32>
      %get3A_29 = arith.constant 0 : index
      %get3A_30 = arith.constant 0 : index
      %get3A_31 = vector.load %arg4[%get3A_29, %get3A_30] : memref<1000x64xf32, #tpu.memory_space<vmem>>, vector<1000x64xf32>
      %get3A_32 = arith.constant 0 : index
      %get3A_33 = arith.constant 0 : index
      %get3A_34 = vector.load %arg5[%get3A_32, %get3A_33] : memref<1000x64xf32, #tpu.memory_space<vmem>>, vector<1000x64xf32>
      %add3A_35 = arith.addf %get3A_31, %get3A_34 : vector<1000x64xf32>
      %max3A_36 = arith.constant 1.000000e+00 : f32
      %max3A_37 = vector.broadcast %max3A_36 : f32 to vector<1000x1xf32>
      %max3A_38 = arith.maximumf %add3A_18, %max3A_37 : vector<1000x1xf32>
      %div3A_39 = vector.broadcast %max3A_38 : vector<1000x1xf32> to vector<1000x64xf32>
      %div3A_40 = arith.divf %add3A_35, %div3A_39 : vector<1000x64xf32>
      %add3A_41 = arith.addf %div3A_28, %div3A_40 : vector<1000x64xf32>
      %get3A_42 = arith.constant 0 : index
      %get3A_43 = arith.constant 0 : index
      %get3A_44 = vector.load %arg8[%get3A_42, %get3A_43] : memref<1000x64xf32, #tpu.memory_space<vmem>>, vector<1000x64xf32>
      %add3A_45 = arith.addf %add3A_41, %get3A_44 : vector<1000x64xf32>
      %mul3A = arith.constant 1000 : i32
      %mul3A_46 = arith.muli %arg1, %mul3A : i32
      %swap3A = arith.index_cast %mul3A_46 : i32 to index
      %swap3A_47 = arith.constant 0 : index
      %swap3A_48 = vector.load %arg20[%swap3A, %swap3A_47] : memref<10000x64xf32, #tpu.memory_space<vmem>>, vector<1000x64xf32>
      tpu.vector_store %arg20[%swap3A, %swap3A_47], %add3A_45 {strides = array<i32>} : memref<10000x64xf32, #tpu.memory_space<vmem>>, vector<1000x64xf32>,
      %eq3A_49 = arith.constant 0 : i32
      %eq3A_50 = arith.cmpi eq, %arg1, %eq3A_49 : i32
      %convert_element_type3A_51 = arith.extui %eq3A_50 : i1 to i32
      %cond3A_52 = arith.constant 0 : i32
      %cond3A_53 = arith.cmpi ne, %convert_element_type3A_51, %cond3A_52 : i32
      scf.if %cond3A_53 {
        %broadcast_in_dim3A_73 = arith.constant 0.000000e+00 : f32
        %broadcast_in_dim3A_74 = vector.broadcast %broadcast_in_dim3A_73 : f32 to vector<2x64xf32>
        %swap3A_75 = arith.constant 0 : index
        %swap3A_76 = arith.constant 0 : index
        %swap3A_77 = vector.load %arg21[%swap3A_75, %swap3A_76] : memref<2x64xf32, #tpu.memory_space<vmem>>, vector<2x64xf32>
        tpu.vector_store %arg21[%swap3A_75, %swap3A_76], %broadcast_in_dim3A_74 {strides = array<i32>} : memref<2x64xf32, #tpu.memory_space<vmem>>, vector<2x64xf32>,
      } else {
      }
      %get3A_54 = arith.constant 0 : index
      %get3A_55 = arith.constant 0 : index
      %get3A_56 = vector.load %arg21[%get3A_54, %get3A_55] : memref<2x64xf32, #tpu.memory_space<vmem>>, vector<1x64xf32>
      %reduce_sum3A = arith.constant dense<0.000000e+00> : vector<64xf32>
      %reduce_sum3A_57 = vector.multi_reduction <add>, %add3A_45, %reduce_sum3A [0] : vector<1000x64xf32> to vector<64xf32>
      %broadcast_in_dim3A = vector.shape_cast %reduce_sum3A_57 : vector<64xf32> to vector<1x64xf32>
      %add3A_58 = arith.addf %get3A_56, %broadcast_in_dim3A : vector<1x64xf32>
      %swap3A_59 = arith.constant 0 : index
      %swap3A_60 = arith.constant 0 : index
      %swap3A_61 = vector.load %arg21[%swap3A_59, %swap3A_60] : memref<2x64xf32, #tpu.memory_space<vmem>>, vector<1x64xf32>
      tpu.vector_store %arg21[%swap3A_59, %swap3A_60], %add3A_58 {strides = array<i32>} : memref<2x64xf32, #tpu.memory_space<vmem>>, vector<1x64xf32>,
      %get3A_62 = arith.constant 1 : index
      %get3A_63 = arith.constant 0 : index
      %get3A_64 = vector.load %arg21[%get3A_62, %get3A_63] : memref<2x64xf32, #tpu.memory_space<vmem>>, vector<1x64xf32>
      %mul3A_65 = arith.mulf %add3A_45, %add3A_45 : vector<1000x64xf32>
      %reduce_sum3A_66 = arith.constant dense<0.000000e+00> : vector<64xf32>
      %reduce_sum3A_67 = vector.multi_reduction <add>, %mul3A_65, %reduce_sum3A_66 [0] : vector<1000x64xf32> to vector<64xf32>
      %broadcast_in_dim3A_68 = vector.shape_cast %reduce_sum3A_67 : vector<64xf32> to vector<1x64xf32>
      %add3A_69 = arith.addf %get3A_64, %broadcast_in_dim3A_68 : vector<1x64xf32>
      %swap3A_70 = arith.constant 1 : index
      %swap3A_71 = arith.constant 0 : index
      %swap3A_72 = vector.load %arg21[%swap3A_70, %swap3A_71] : memref<2x64xf32, #tpu.memory_space<vmem>>, vector<1x64xf32>
      tpu.vector_store %arg21[%swap3A_70, %swap3A_71], %add3A_69 {strides = array<i32>} : memref<2x64xf32, #tpu.memory_space<vmem>>, vector<1x64xf32>,
    } else {
    }
    %eq3A_2 = arith.constant 1 : i32
    %eq3A_3 = arith.cmpi eq, %arg0, %eq3A_2 : i32
    %convert_element_type3A_4 = arith.extui %eq3A_3 : i1 to i32
    %cond3A_5 = arith.constant 0 : i32
    %cond3A_6 = arith.cmpi ne, %convert_element_type3A_4, %cond3A_5 : i32
    scf.if %cond3A_6 {
      %get3A = arith.constant 0 : index
      %get3A_7 = arith.constant 0 : index
      %get3A_8 = vector.load %arg21[%get3A, %get3A_7] : memref<2x64xf32, #tpu.memory_space<vmem>>, vector<1x64xf32>
      %div3A = arith.constant 1.000000e+04 : f32
      %div3A_9 = vector.broadcast %div3A : f32 to vector<1x64xf32>
      %div3A_10 = arith.divf %get3A_8, %div3A_9 : vector<1x64xf32>
      %get3A_11 = arith.constant 1 : index
      %get3A_12 = arith.constant 0 : index
      %get3A_13 = vector.load %arg21[%get3A_11, %get3A_12] : memref<2x64xf32, #tpu.memory_space<vmem>>, vector<1x64xf32>
      %div3A_14 = arith.constant 1.000000e+04 : f32
      %div3A_15 = vector.broadcast %div3A_14 : f32 to vector<1x64xf32>
      %div3A_16 = arith.divf %get3A_13, %div3A_15 : vector<1x64xf32>
      %mul3A = arith.mulf %div3A_10, %div3A_10 : vector<1x64xf32>
      %sub3A = arith.subf %div3A_16, %mul3A : vector<1x64xf32>
      %mul3A_17 = arith.constant 1000 : i32
      %mul3A_18 = arith.muli %arg1, %mul3A_17 : i32
      %get3A_19 = arith.index_cast %mul3A_18 : i32 to index
      %get3A_20 = arith.constant 0 : index
      %get3A_21 = vector.load %arg20[%get3A_19, %get3A_20] : memref<10000x64xf32, #tpu.memory_space<vmem>>, vector<1000x64xf32>
      %sub3A_22 = vector.broadcast %div3A_10 : vector<1x64xf32> to vector<1000x64xf32>
      %sub3A_23 = arith.subf %get3A_21, %sub3A_22 : vector<1000x64xf32>
      %add3A = arith.constant 9.99999974E-6 : f32
      %add3A_24 = vector.broadcast %add3A : f32 to vector<1x64xf32>
      %add3A_25 = arith.addf %sub3A, %add3A_24 : vector<1x64xf32>
      %sqrt3A = math.sqrt %add3A_25 : vector<1x64xf32>
      %div3A_26 = vector.broadcast %sqrt3A : vector<1x64xf32> to vector<1000x64xf32>
      %div3A_27 = arith.divf %sub3A_23, %div3A_26 : vector<1000x64xf32>
      %get3A_28 = arith.constant 0 : index
      %get3A_29 = arith.constant 0 : index
      %get3A_30 = vector.load %arg9[%get3A_28, %get3A_29] : memref<1x64xf32, #tpu.memory_space<vmem>>, vector<1x64xf32>
      %mul3A_31 = vector.broadcast %get3A_30 : vector<1x64xf32> to vector<1000x64xf32>
      %mul3A_32 = arith.mulf %div3A_27, %mul3A_31 : vector<1000x64xf32>
      %get3A_33 = arith.constant 0 : index
      %get3A_34 = arith.constant 0 : index
      %get3A_35 = vector.load %arg10[%get3A_33, %get3A_34] : memref<1x64xf32, #tpu.memory_space<vmem>>, vector<1x64xf32>
      %add3A_36 = vector.broadcast %get3A_35 : vector<1x64xf32> to vector<1000x64xf32>
      %add3A_37 = arith.addf %mul3A_32, %add3A_36 : vector<1000x64xf32>
      %max3A = arith.constant 0.000000e+00 : f32
      %max3A_38 = vector.broadcast %max3A : f32 to vector<1000x64xf32>
      %max3A_39 = arith.maximumf %add3A_37, %max3A_38 : vector<1000x64xf32>
      %get3A_40 = arith.constant 0 : index
      %get3A_41 = arith.constant 0 : index
      %get3A_42 = vector.load %arg11[%get3A_40, %get3A_41] : memref<64x64xf32, #tpu.memory_space<vmem>>, vector<64x64xf32>
      %dot_general3A = arith.constant dense<0.000000e+00> : vector<1000x64xf32>
      %dot_general3A_43 = tpu.matmul %max3A_39, %get3A_42, %dot_general3A {dimension_numbers = #tpu.dot_dimension_numbers<[1], [0], [0], [1], [0, 0, 1, 1], [], []>, transpose_lhs_hint = false} : vector<1000x64xf32>, vector<64x64xf32>, vector<1000x64xf32> -> vector<1000x64xf32>
      %swap3A = arith.constant 0 : index
      %swap3A_44 = arith.constant 0 : index
      %swap3A_45 = vector.load %arg17[%swap3A, %swap3A_44] : memref<1000x64xf32, #tpu.memory_space<vmem>>, vector<1000x64xf32>
      tpu.vector_store %arg17[%swap3A, %swap3A_44], %dot_general3A_43 {strides = array<i32>} : memref<1000x64xf32, #tpu.memory_space<vmem>>, vector<1000x64xf32>,
      %get3A_46 = arith.constant 0 : index
      %get3A_47 = arith.constant 0 : index
      %get3A_48 = vector.load %arg12[%get3A_46, %get3A_47] : memref<64x64xf32, #tpu.memory_space<vmem>>, vector<64x64xf32>
      %dot_general3A_49 = arith.constant dense<0.000000e+00> : vector<1000x64xf32>
      %dot_general3A_50 = tpu.matmul %max3A_39, %get3A_48, %dot_general3A_49 {dimension_numbers = #tpu.dot_dimension_numbers<[1], [0], [0], [1], [0, 0, 1, 1], [], []>, transpose_lhs_hint = false} : vector<1000x64xf32>, vector<64x64xf32>, vector<1000x64xf32> -> vector<1000x64xf32>
      %swap3A_51 = arith.constant 0 : index
      %swap3A_52 = arith.constant 0 : index
      %swap3A_53 = vector.load %arg18[%swap3A_51, %swap3A_52] : memref<1000x64xf32, #tpu.memory_space<vmem>>, vector<1000x64xf32>
      tpu.vector_store %arg18[%swap3A_51, %swap3A_52], %dot_general3A_50 {strides = array<i32>} : memref<1000x64xf32, #tpu.memory_space<vmem>>, vector<1000x64xf32>,
      %get3A_54 = arith.constant 0 : index
      %get3A_55 = arith.constant 0 : index
      %get3A_56 = vector.load %arg13[%get3A_54, %get3A_55] : memref<64x64xf32, #tpu.memory_space<vmem>>, vector<64x64xf32>
      %get3A_57 = arith.constant 0 : index
      %get3A_58 = arith.constant 0 : index
      %get3A_59 = vector.load %arg14[%get3A_57, %get3A_58] : memref<64x64xf32, #tpu.memory_space<vmem>>, vector<64x64xf32>
      %add3A_60 = arith.addf %get3A_56, %get3A_59 : vector<64x64xf32>
      %dot_general3A_61 = arith.constant dense<0.000000e+00> : vector<1000x64xf32>
      %dot_general3A_62 = tpu.matmul %max3A_39, %add3A_60, %dot_general3A_61 {dimension_numbers = #tpu.dot_dimension_numbers<[1], [0], [0], [1], [0, 0, 1, 1], [], []>, transpose_lhs_hint = false} : vector<1000x64xf32>, vector<64x64xf32>, vector<1000x64xf32> -> vector<1000x64xf32>
      %get3A_63 = arith.constant 0 : index
      %get3A_64 = arith.constant 0 : index
      %get3A_65 = vector.load %arg15[%get3A_63, %get3A_64] : memref<1x64xf32, #tpu.memory_space<vmem>>, vector<1x64xf32>
      %add3A_66 = vector.broadcast %get3A_65 : vector<1x64xf32> to vector<1000x64xf32>
      %add3A_67 = arith.addf %dot_general3A_62, %add3A_66 : vector<1000x64xf32>
      %get3A_68 = arith.constant 0 : index
      %get3A_69 = arith.constant 0 : index
      %get3A_70 = vector.load %arg16[%get3A_68, %get3A_69] : memref<1x64xf32, #tpu.memory_space<vmem>>, vector<1x64xf32>
      %add3A_71 = vector.broadcast %get3A_70 : vector<1x64xf32> to vector<1000x64xf32>
      %add3A_72 = arith.addf %add3A_67, %add3A_71 : vector<1000x64xf32>
      %swap3A_73 = arith.constant 0 : index
      %swap3A_74 = arith.constant 0 : index
      %swap3A_75 = vector.load %arg19[%swap3A_73, %swap3A_74] : memref<1000x64xf32, #tpu.memory_space<vmem>>, vector<1000x64xf32>
      tpu.vector_store %arg19[%swap3A_73, %swap3A_74], %add3A_72 {strides = array<i32>} : memref<1000x64xf32, #tpu.memory_space<vmem>>, vector<1000x64xf32>,
    } else {
    }
    return
  }
  func.func @transform_0(%arg0: i32, %arg1: i32) -> (i32, i32) {
    %c0_i32 = arith.constant 0 : i32
    %c0_i32_0 = arith.constant 0 : i32
    return %arg1, %c0_i32 : i32, i32
  }
  func.func @transform_1(%arg0: i32, %arg1: i32) -> (i32, i32) {
    %add3A = arith.constant 10 : i32
    %add3A_0 = arith.addi %arg1, %add3A : i32
    %c0_i32 = arith.constant 0 : i32
    %c0_i32_1 = arith.constant 0 : i32
    return %add3A_0, %c0_i32 : i32, i32
  }
  func.func @transform_2(%arg0: i32, %arg1: i32) -> (i32, i32) {
    %c0_i32 = arith.constant 0 : i32
    %c0_i32_0 = arith.constant 0 : i32
    return %arg1, %c0_i32 : i32, i32
  }
  func.func @transform_3(%arg0: i32, %arg1: i32) -> (i32, i32) {
    %add3A = arith.constant 10 : i32
    %add3A_0 = arith.addi %arg1, %add3A : i32
    %c0_i32 = arith.constant 0 : i32
    %c0_i32_1 = arith.constant 0 : i32
    return %add3A_0, %c0_i32 : i32, i32
  }
  func.func @transform_4(%arg0: i32, %arg1: i32) -> (i32, i32) {
    %c0_i32 = arith.constant 0 : i32
    %c0_i32_0 = arith.constant 0 : i32
    return %arg1, %c0_i32 : i32, i32
  }
  func.func @transform_5(%arg0: i32, %arg1: i32) -> (i32, i32) {
    %add3A = arith.constant 10 : i32
    %add3A_0 = arith.addi %arg1, %add3A : i32
    %c0_i32 = arith.constant 0 : i32
    %c0_i32_1 = arith.constant 0 : i32
    return %add3A_0, %c0_i32 : i32, i32
  }
  func.func @transform_6(%arg0: i32, %arg1: i32) -> (i32, i32) {
    %c0_i32 = arith.constant 0 : i32
    %c0_i32_0 = arith.constant 0 : i32
    return %arg1, %c0_i32 : i32, i32
  }
  func.func @transform_7(%arg0: i32, %arg1: i32) -> (i32, i32) {
    %c0_i32 = arith.constant 0 : i32
    %c0_i32_0 = arith.constant 0 : i32
    %c0_i32_1 = arith.constant 0 : i32
    return %c0_i32, %c0_i32_0 : i32, i32
  }
  func.func @transform_8(%arg0: i32, %arg1: i32) -> (i32, i32) {
    %c0_i32 = arith.constant 0 : i32
    %c0_i32_0 = arith.constant 0 : i32
    %c0_i32_1 = arith.constant 0 : i32
    return %c0_i32, %c0_i32_0 : i32, i32
  }
  func.func @transform_9(%arg0: i32, %arg1: i32) -> (i32, i32) {
    %c0_i32 = arith.constant 0 : i32
    %c0_i32_0 = arith.constant 0 : i32
    %c0_i32_1 = arith.constant 0 : i32
    return %c0_i32, %c0_i32_0 : i32, i32
  }
  func.func @transform_10(%arg0: i32, %arg1: i32) -> (i32, i32) {
    %c0_i32 = arith.constant 0 : i32
    %c0_i32_0 = arith.constant 0 : i32
    %c0_i32_1 = arith.constant 0 : i32
    return %c0_i32, %c0_i32_0 : i32, i32
  }
  func.func @transform_11(%arg0: i32, %arg1: i32) -> (i32, i32) {
    %c0_i32 = arith.constant 0 : i32
    %c0_i32_0 = arith.constant 0 : i32
    %c0_i32_1 = arith.constant 0 : i32
    return %c0_i32, %c0_i32_0 : i32, i32
  }
  func.func @transform_12(%arg0: i32, %arg1: i32) -> (i32, i32) {
    %c0_i32 = arith.constant 0 : i32
    %c0_i32_0 = arith.constant 0 : i32
    %c0_i32_1 = arith.constant 0 : i32
    return %c0_i32, %c0_i32_0 : i32, i32
  }
  func.func @transform_13(%arg0: i32, %arg1: i32) -> (i32, i32) {
    %c0_i32 = arith.constant 0 : i32
    %c0_i32_0 = arith.constant 0 : i32
    %c0_i32_1 = arith.constant 0 : i32
    return %c0_i32, %c0_i32_0 : i32, i32
  }
  func.func @transform_14(%arg0: i32, %arg1: i32) -> (i32, i32) {
    %c0_i32 = arith.constant 0 : i32
    %c0_i32_0 = arith.constant 0 : i32
    %c0_i32_1 = arith.constant 0 : i32
    return %c0_i32, %c0_i32_0 : i32, i32
  }
  func.func @transform_15(%arg0: i32, %arg1: i32) -> (i32, i32) {
    %c0_i32 = arith.constant 0 : i32
    %c0_i32_0 = arith.constant 0 : i32
    return %arg1, %c0_i32 : i32, i32
  }
  func.func @transform_16(%arg0: i32, %arg1: i32) -> (i32, i32) {
    %c0_i32 = arith.constant 0 : i32
    %c0_i32_0 = arith.constant 0 : i32
    return %arg1, %c0_i32 : i32, i32
  }
  func.func @transform_17(%arg0: i32, %arg1: i32) -> (i32, i32) {
    %c0_i32 = arith.constant 0 : i32
    %c0_i32_0 = arith.constant 0 : i32
    return %arg1, %c0_i32 : i32, i32
  }
}

module attributes {stable_mosaic.version = 14 : i64} {
  func.func @_tc_final(%arg0: memref<20000x64xf32, #tpu.memory_space<vmem>>, %arg1: memref<20000x64xf32, #tpu.memory_space<vmem>>, %arg2: memref<20000x8xf32, #tpu.memory_space<vmem>>, %arg3: memref<10000x64xf32, #tpu.memory_space<vmem>>, %arg4: memref<64xf32, #tpu.memory_space<vmem>>, %arg5: memref<64xf32, #tpu.memory_space<vmem>>, %arg6: memref<1x64xf32, #tpu.memory_space<vmem>>) attributes {dimension_semantics = [], scalar_prefetch = 0 : i64, scratch_operands = 0 : i64, tpu.core_type = #tpu.core_type<tc>} {
    %get3A = arith.constant 0 : index
    %get3A_0 = arith.constant 0 : index
    %get3A_1 = vector.load %arg2[%get3A, %get3A_0] : memref<20000x8xf32, #tpu.memory_space<vmem>>, vector<10000x1xf32>
    %get3A_2 = arith.constant 10000 : index
    %get3A_3 = arith.constant 0 : index
    %get3A_4 = vector.load %arg2[%get3A_2, %get3A_3] : memref<20000x8xf32, #tpu.memory_space<vmem>>, vector<10000x1xf32>
    %add3A = arith.addf %get3A_1, %get3A_4 : vector<10000x1xf32>
    %get3A_5 = arith.constant 0 : index
    %get3A_6 = arith.constant 1 : index
    %get3A_7 = vector.load %arg2[%get3A_5, %get3A_6] : memref<20000x8xf32, #tpu.memory_space<vmem>>, vector<10000x1xf32>
    %get3A_8 = arith.constant 10000 : index
    %get3A_9 = arith.constant 1 : index
    %get3A_10 = vector.load %arg2[%get3A_8, %get3A_9] : memref<20000x8xf32, #tpu.memory_space<vmem>>, vector<10000x1xf32>
    %add3A_11 = arith.addf %get3A_7, %get3A_10 : vector<10000x1xf32>
    %get3A_12 = arith.constant 0 : index
    %get3A_13 = arith.constant 0 : index
    %get3A_14 = vector.load %arg0[%get3A_12, %get3A_13] : memref<20000x64xf32, #tpu.memory_space<vmem>>, vector<10000x64xf32>
    %get3A_15 = arith.constant 10000 : index
    %get3A_16 = arith.constant 0 : index
    %get3A_17 = vector.load %arg0[%get3A_15, %get3A_16] : memref<20000x64xf32, #tpu.memory_space<vmem>>, vector<10000x64xf32>
    %add3A_18 = arith.addf %get3A_14, %get3A_17 : vector<10000x64xf32>
    %get3A_19 = arith.constant 0 : index
    %get3A_20 = arith.constant 0 : index
    %get3A_21 = vector.load %arg1[%get3A_19, %get3A_20] : memref<20000x64xf32, #tpu.memory_space<vmem>>, vector<10000x64xf32>
    %get3A_22 = arith.constant 10000 : index
    %get3A_23 = arith.constant 0 : index
    %get3A_24 = vector.load %arg1[%get3A_22, %get3A_23] : memref<20000x64xf32, #tpu.memory_space<vmem>>, vector<10000x64xf32>
    %add3A_25 = arith.addf %get3A_21, %get3A_24 : vector<10000x64xf32>
    %max3A = arith.constant 1.000000e+00 : f32
    %max3A_26 = vector.broadcast %max3A : f32 to vector<10000x1xf32>
    %max3A_27 = arith.maximumf %add3A, %max3A_26 : vector<10000x1xf32>
    %div3A = vector.broadcast %max3A_27 : vector<10000x1xf32> to vector<10000x64xf32>
    %div3A_28 = arith.divf %add3A_18, %div3A : vector<10000x64xf32>
    %max3A_29 = arith.constant 1.000000e+00 : f32
    %max3A_30 = vector.broadcast %max3A_29 : f32 to vector<10000x1xf32>
    %max3A_31 = arith.maximumf %add3A_11, %max3A_30 : vector<10000x1xf32>
    %div3A_32 = vector.broadcast %max3A_31 : vector<10000x1xf32> to vector<10000x64xf32>
    %div3A_33 = arith.divf %add3A_25, %div3A_32 : vector<10000x64xf32>
    %add3A_34 = arith.addf %div3A_28, %div3A_33 : vector<10000x64xf32>
    %get3A_35 = arith.constant 0 : index
    %get3A_36 = arith.constant 0 : index
    %get3A_37 = vector.load %arg3[%get3A_35, %get3A_36] : memref<10000x64xf32, #tpu.memory_space<vmem>>, vector<10000x64xf32>
    %add3A_38 = arith.addf %add3A_34, %get3A_37 : vector<10000x64xf32>
    %reduce_sum3A = arith.constant dense<0.000000e+00> : vector<64xf32>
    %reduce_sum3A_39 = vector.multi_reduction <add>, %add3A_38, %reduce_sum3A [0] : vector<10000x64xf32> to vector<64xf32>
    %div3A_40 = arith.constant 1.000000e+04 : f32
    %div3A_41 = vector.broadcast %div3A_40 : f32 to vector<64xf32>
    %div3A_42 = arith.divf %reduce_sum3A_39, %div3A_41 : vector<64xf32>
    %broadcast_in_dim3A = vector.shape_cast %div3A_42 : vector<64xf32> to vector<1x64xf32>
    %sub3A = vector.broadcast %broadcast_in_dim3A : vector<1x64xf32> to vector<10000x64xf32>
    %sub3A_43 = arith.subf %add3A_38, %sub3A : vector<10000x64xf32>
    %integer_pow3A = arith.mulf %sub3A_43, %sub3A_43 : vector<10000x64xf32>
    %reduce_sum3A_44 = arith.constant dense<0.000000e+00> : vector<64xf32>
    %reduce_sum3A_45 = vector.multi_reduction <add>, %integer_pow3A, %reduce_sum3A_44 [0] : vector<10000x64xf32> to vector<64xf32>
    %div3A_46 = arith.constant 1.000000e+04 : f32
    %div3A_47 = vector.broadcast %div3A_46 : f32 to vector<64xf32>
    %div3A_48 = arith.divf %reduce_sum3A_45, %div3A_47 : vector<64xf32>
    %broadcast_in_dim3A_49 = vector.shape_cast %div3A_42 : vector<64xf32> to vector<1x64xf32>
    %sub3A_50 = vector.broadcast %broadcast_in_dim3A_49 : vector<1x64xf32> to vector<10000x64xf32>
    %sub3A_51 = arith.subf %add3A_38, %sub3A_50 : vector<10000x64xf32>
    %broadcast_in_dim3A_52 = vector.shape_cast %div3A_48 : vector<64xf32> to vector<1x64xf32>
    %add3A_53 = arith.constant 9.99999974E-6 : f32
    %add3A_54 = vector.broadcast %add3A_53 : f32 to vector<1x64xf32>
    %add3A_55 = arith.addf %broadcast_in_dim3A_52, %add3A_54 : vector<1x64xf32>
    %sqrt3A = math.sqrt %add3A_55 : vector<1x64xf32>
    %div3A_56 = vector.broadcast %sqrt3A : vector<1x64xf32> to vector<10000x64xf32>
    %div3A_57 = arith.divf %sub3A_51, %div3A_56 : vector<10000x64xf32>
    %get3A_58 = arith.constant 0 : index
    %get3A_59 = vector.load %arg4[%get3A_58] : memref<64xf32, #tpu.memory_space<vmem>>, vector<64xf32>
    %broadcast_in_dim3A_60 = vector.shape_cast %get3A_59 : vector<64xf32> to vector<1x64xf32>
    %mul3A = vector.broadcast %broadcast_in_dim3A_60 : vector<1x64xf32> to vector<10000x64xf32>
    %mul3A_61 = arith.mulf %div3A_57, %mul3A : vector<10000x64xf32>
    %get3A_62 = arith.constant 0 : index
    %get3A_63 = vector.load %arg5[%get3A_62] : memref<64xf32, #tpu.memory_space<vmem>>, vector<64xf32>
    %broadcast_in_dim3A_64 = vector.shape_cast %get3A_63 : vector<64xf32> to vector<1x64xf32>
    %add3A_65 = vector.broadcast %broadcast_in_dim3A_64 : vector<1x64xf32> to vector<10000x64xf32>
    %add3A_66 = arith.addf %mul3A_61, %add3A_65 : vector<10000x64xf32>
    %max3A_67 = arith.constant 0.000000e+00 : f32
    %max3A_68 = vector.broadcast %max3A_67 : f32 to vector<10000x64xf32>
    %max3A_69 = arith.maximumf %add3A_66, %max3A_68 : vector<10000x64xf32>
    %reduce_max3A = arith.constant dense<0xFF800000> : vector<64xf32>
    %reduce_max3A_70 = vector.multi_reduction <maximumf>, %max3A_69, %reduce_max3A [0] : vector<10000x64xf32> to vector<64xf32>
    %broadcast_in_dim3A_71 = vector.shape_cast %reduce_max3A_70 : vector<64xf32> to vector<1x64xf32>
    %swap3A = arith.constant 0 : index
    %swap3A_72 = arith.constant 0 : index
    %swap3A_73 = vector.load %arg6[%swap3A, %swap3A_72] : memref<1x64xf32, #tpu.memory_space<vmem>>, vector<1x64xf32>
    tpu.vector_store %arg6[%swap3A, %swap3A_72], %broadcast_in_dim3A_71 {strides = array<i32>} : memref<1x64xf32, #tpu.memory_space<vmem>>, vector<1x64xf32>,
    return
  }
}

</mosaic_0001>

<sc_bundles>
// kernel: kernel.10.cloned.1.call-start
scs
__scs_entry_jumppad:
0x0: {  	(pc) =	sbr.rel $0x88, $3  }
0x1: {  	(tag) =	ssettag $0x0;
	lr =	simm.s32 $0x1  }
0x2: {  	[smem:$0x3F8F] =	sst lr;
	_ =	strace $0xD0000000  }
0x3: {  	_ = 	snop  }
0x4: {  	_ = 	snop  }
0x5: {  	_ = 	snop  }
0x6: {  	_ = 	snop  }
0x7: {  	_ = 	snop  }
__scs_overlays_trampoline_lowered:
0x8: {  	[smem:$0x3F9E] =	sst s0  }
0x9: {  	[smem:$0x3F9F] =	sst s1  }
0xa: {  	[smem:$0x3FA0] =	sst s2  }
0xb: {  	[smem:$0x3FA1] =	sst s3  }
0xc: {  	[smem:$0x3FA2] =	sst s4  }
0xd: {  	[smem:$0x3FA3] =	sst s5  }
0xe: {  	[smem:$0x3FA4] =	sst s6  }
0xf: {  	[smem:$0x3FA5] =	sst s7  }
0x10: {  	[smem:$0x3FA6] =	sst s8  }
0x11: {  	[smem:$0x3FA7] =	sst s9;
	s0 =	simm.s32 @!p0 $0x0  }
0x12: {  	s1 =	sld [smem:$0x3F8D];
	s0 =	simm.s32 @p0 $0x1  }
0x13: {  	[smem:$0x3FA8] =	sst s0;
	s0 =	simm.s32 @!p1 $0x0  }
0x14: {  	s2 =	sld [smem:$0x3F8C];
	s0 =	simm.s32 @p1 $0x1  }
0x15: {  	[smem:$0x3FA9] =	sst s0;
	s0 =	simm.s32 @!p2 $0x0  }
0x16: {  	s3 =	sld [smem:$0x3FDB];
	s0 =	simm.s32 @p2 $0x1  }
0x17: {  	s4 =	simm.s32 $0x1BF5;
	[smem:$0x3FAB] =	sst s0  }
0x18: {  	s0 =	sld [smem:$0x3F8E];
	_ =	swait.ge [sflag:s4], $0x0  }
0x19: {  	s7 =	sld [smem:$0x3F8F]  }
0x1a: {  	s8 =	sadd.s32 $0xFFFFE003, lr  }
0x1b: {  	s9 =	sadd.s32 $0xFFFFFEF7, lr;
	s5 =	simm.s32 $0xFFFFFFFF;
	p2 =	slt.u32 s8, $0xFFFFF086  }
0x1c: {  	p1 =	slt.u32 s9, $0xF7A;
	s5 =	simm.s32 @!p2 $0x0  }
0x1d: {  	s5 =	simm.s32 @p1 $0x1;
	p0 =	seq.s32 s7, s2  }
0x1e: {  	s7 =	smul.u32 @!p0 $0xF7A, s2;
	p2 =	seq.s32 @!p0 s5, $0x0  }
0x1f: {  	s9 =	smul.u32 $0xF7A, s1;
	s8 =	simm.s32 @!p0 $0x1BF5;
	p2 =	por !p2, p0  }
0x20: {  	[sflag:s8] =	ssyncset.s32 @!p0 $0xFFFFF086;
	s6 =	sadd.s32 @!p0 s3, s7;
	s7 =	simm.s32 @!p0 $0x108  }
0x21: {  	s3 =	sadd.s32 s3, s9;
	s6 =	sadd.s32 @!p0 $0x88, s6;
	s7 =	simm.s32 @p2 $0x1082  }
0x22: {  	[simem:s7], [sflag:s8] =	dma.local @!p0 [hbm:s6], $0xF7A  }
0x23: {  	s9 =	sor.u32 $0xD0000000, s2;
	s6 =	simm.s32 $0x108;
	_ =	swait.ge @!p0 [sflag:s8], $0x0  }
0x24: {  	s3 =	sadd.s32 $0x88, s3;
	s6 =	simm.s32 @!p1 $0x1082;
	[sflag:s4] =	ssyncset.s32 $0xFFFFF086  }
0x25: {  	[simem:s6], [sflag:s4] =	dma.local [hbm:s3], $0xF7A  }
0x26: {  	[smem:$0x3F8F] =	sst s1;
	(tag) =	ssettag s2;
	_ =	strace s9  }
0x27: {  	s1 =	sld [smem:$0x3F9F]  }
0x28: {  	s2 =	sld [smem:$0x3FA0]  }
0x29: {  	s4 =	sld [smem:$0x3FA2]  }
0x2a: {  	p0 =	seq.s32 s5, $0x0;
	s5 =	sld [smem:$0x3FA3]  }
0x2b: {  	s6 =	sld [smem:$0x3FA4]  }
0x2c: {  	s7 =	sld [smem:$0x3FA5]  }
0x2d: {  	s3 =	simm.s32 $0x108;
	s8 =	sld [smem:$0x3FA6]  }
0x2e: {  	s3 =	simm.s32 @!p0 $0x1082;
	s9 =	sld [smem:$0x3FA7]  }
0x2f: {  	lr =	sadd.s32 s0, s3;
	s0 =	sld [smem:$0x3F9E]  }
0x30: {  	s3 =	sld [smem:$0x3FA1]  }
0x31: {  	[smem:$0x3FAA] =	sst s10  }
0x32: {  	s10 =	sld [smem:$0x3FA8];
	_ =	sdelay $0x3  }
0x33: {  	p0 =	seq.s32 s10, $0x1;
	s10 =	sld [smem:$0x3FAA];
	_ =	sdelay $0x3  }
0x34: {  	[smem:$0x3FAA] =	sst s10  }
0x35: {  	s10 =	sld [smem:$0x3FA9];
	_ =	sdelay $0x3  }
0x36: {  	p1 =	seq.s32 s10, $0x1;
	s10 =	sld [smem:$0x3FAA];
	_ =	sdelay $0x3  }
0x37: {  	[smem:$0x3FAA] =	sst s10  }
0x38: {  	s10 =	sld [smem:$0x3FAB]  }
0x39: {  	_ = 	snop;
	(pc) =	sbr.ind lr, $3  }
0x3a: {  	_ = 	snop  }
0x3b: {  	_ = 	snop  }
0x3c: {  	p2 =	seq.s32 s10, $0x1;
	s10 =	sld [smem:$0x3FAA]  }
0x3d: {  	_ =	shalt  }
0x3e: {  	_ =	shalt  }
0x3f: {  	_ =	shalt  }
0x40: {  	_ =	shalt  }
0x41: {  	_ =	shalt  }
0x42: {  	_ =	shalt  }
0x43: {  	_ =	shalt  }
0x44: {  	_ =	shalt  }
0x45: {  	_ =	shalt  }
0x46: {  	_ =	shalt  }
0x47: {  	_ =	shalt  }
0x48: {  	_ =	shalt  }
0x49: {  	_ =	shalt  }
0x4a: {  	_ =	shalt  }
0x4b: {  	_ =	shalt  }
0x4c: {  	_ =	shalt  }
0x4d: {  	_ =	shalt  }
0x4e: {  	_ =	shalt  }
0x4f: {  	_ =	shalt  }
0x50: {  	_ =	shalt  }
0x51: {  	_ =	shalt  }
0x52: {  	_ =	shalt  }
0x53: {  	_ =	shalt  }
0x54: {  	_ =	shalt  }
0x55: {  	_ =	shalt  }
0x56: {  	_ =	shalt  }
0x57: {  	_ =	shalt  }
0x58: {  	_ =	shalt  }
0x59: {  	_ =	shalt  }
0x5a: {  	_ =	shalt  }
0x5b: {  	_ =	shalt  }
0x5c: {  	_ =	shalt  }
0x5d: {  	_ =	shalt  }
0x5e: {  	_ =	shalt  }
0x5f: {  	_ =	shalt  }
0x60: {  	_ =	shalt  }
0x61: {  	_ =	shalt  }
0x62: {  	_ =	shalt  }
0x63: {  	_ =	shalt  }
0x64: {  	_ =	shalt  }
0x65: {  	_ =	shalt  }
0x66: {  	_ =	shalt  }
0x67: {  	_ =	shalt  }
0x68: {  	_ =	shalt  }
0x69: {  	_ =	shalt  }
0x6a: {  	_ =	shalt  }
0x6b: {  	_ =	shalt  }
0x6c: {  	_ =	shalt  }
0x6d: {  	_ =	shalt  }
0x6e: {  	_ =	shalt  }
0x6f: {  	_ =	shalt  }
0x70: {  	_ =	shalt  }
0x71: {  	_ =	shalt  }
0x72: {  	_ =	shalt  }
0x73: {  	_ =	shalt  }
0x74: {  	_ =	shalt  }
0x75: {  	_ =	shalt  }
0x76: {  	_ =	shalt  }
0x77: {  	_ =	shalt  }
0x78: {  	_ =	shalt  }
0x79: {  	_ =	shalt  }
0x7a: {  	_ =	shalt  }
0x7b: {  	_ =	shalt  }
0x7c: {  	_ =	shalt  }
0x7d: {  	_ =	shalt  }
0x7e: {  	_ =	shalt  }
0x7f: {  	_ =	shalt  }
0x80: {  	_ =	shalt  }
0x81: {  	_ =	shalt  }
0x82: {  	_ =	shalt  }
0x83: {  	_ =	shalt  }
0x84: {  	_ =	shalt  }
0x85: {  	_ =	shalt  }
0x86: {  	_ =	shalt  }
0x87: {  	_ =	shalt  }
.Lfunc_end0:
.L_simem_size_0:
called_computation.1_lowered:
.L_overlay_start_0:
0x88: {  	s2 =	sld [smem:$0x3FD9]  }
0x89: {  	s3 =	sld [smem:$0x3FFE];
	_ =	sdelay $0x1  }
0x8a: {  	s1 =	srdreg.scid  }
0x8b: {  	s0 =	sand.u32 $0x1, s1  }
0x8c: {  	s16 =	sshll.u32 s0, $0xA;
	s2 =	sadd.s32 s3, s2  }
0x8d: {  	s2 =	sadd.s32 s2, s16  }
0x8e: {  	[smem:$0x3FB6] =	sst s2  }
0x8f: {  	_ = 	snop  }
0x90: {  	(tm) =	ssettm $0x1  }
0x91: {  	s17 =	sld [smem:$0x3FFB];
	_ =	sdelay $0x3  }
0x92: {  	_ =	strace s17  }
0x93: {  	s2 =	sld [smem:$0x3FFC];
	_ =	sdelay $0x3  }
0x94: {  	_ =	strace s2  }
0x95: {  	s2 =	sld [smem:$0x3FFD];
	_ =	sdelay $0x3  }
0x96: {  	_ =	strace s2  }
0x97: {  	_ =	strace $0x8FFFFFFF  }
0x98: {  	s18 =	sld [smem:$0x3FDB];
	_ =	sdelay $0x1  }
0x99: {  	s19 =	simm.s32 $_scs_section_size  }
0x9a: {  	s4 =	simm.s32 $_size__tile_overlayer_lowered;
	s5 =	simm.s32 $_tile_overlayer_lowered  }
0x9b: {  	s22 =	simm.s32 $0x1BFF;
	s21 =	sshll.u32 s5, $0x1;
	s2 =	sadd.s32 s19, s18  }
0x9c: {  	s6 =	simm.s32 $0x0;
	s20 =	sshll.u32 s4, $0x1;
	s4 =	sadd.s32 s21, s2  }
0x9d: {  	[timem:s6], [sflag:s22] =	dma.local [hbm:s4], s20  }
0x9e: {  	_ =	swait.ge [sflag:s22], s20  }
0x9f: {  	s3 =	ssub.s32 $0x0, s20;
	[sflag:s22] =	ssyncset.done $0x0  }
0xa0: {  	[sflag:s22] =	ssyncadd.s32 s3;
	_ =	sdelay $0x1  }
0xa1: {  	s23 =	simm.s32 $0x1B8B  }
0xa2: {  	_ =	swait.ge [sflag:s23], $0x1  }
0xa3: {  	[sflag:s23] =	ssyncset.done $0x0  }
0xa4: {  	s25 =	simm.s32 $0x1B8E;
	s24 =	sld [smem:$0x3FFE];
	[sflag:s23] =	ssyncadd.s32 $0xFFFFFFFF  }
0xa5: {  	s26 =	simm.s32 $execute0_lowered;
	[smem:$0x3FD2] =	sst s25  }
0xa6: {  	s4 =	sshll.u32 s26, $0x1;
	_ =	strace $0x80000049;
	[dreg:$0x1] =	wrdreg $0xFFFFFFFF  }
0xa7: {  	s28 =	simm.s32 $_size_execute0_lowered;
	s2 =	sadd.s32 s2, s4;
	[dreg:$0x0] =	wrdreg $0x0  }
0xa8: {  	s4 =	sshll.u32 s28, $0x1;
	[dreg:$0x2] =	wrdreg s2  }
0xa9: {  	[dreg:$0x3] =	wrdreg s4  }
0xaa: {  	[dreg:$0x4] =	wrdreg $0xC0  }
0xab: {  	_ =	task [dreg:s6], $0x5FFFF  }
0xac: {  	[dreg:$0x1] =	wrdreg $0xFFFFFFFF  }
0xad: {  	[dreg:$0x0] =	wrdreg $0x60  }
0xae: {  	[dreg:$0x2] =	wrdreg s24  }
0xaf: {  	[dreg:$0x3] =	wrdreg $0x91000  }
0xb0: {  	[dreg:$0x4] =	wrdreg $0x12D400  }
0xb1: {  	[dreg:$0x5] =	wrdreg $0x9  }
0xb2: {  	_ =	task.clear_ibuf [dreg:s6], $0x6FFFF;
	_ =	strace $0x90000049  }
0xb3: {  	s29 =	simm.s32 $0x9;
	_ =	strace $0x8000004B  }
0xb4: {  	_ =	swait.ge [sflag:s29], $0x1  }
0xb5: {  	[sflag:s29] =	ssyncadd.s32 $0xFFFFFFFF  }
0xb6: {  	_ =	strace $0x9000004B  }
0xb7: {  	_ =	sfence  }
0xb8: {  	s30 =	sld [smem:$0x0];
	_ =	sdelay $0x2  }
0xb9: {  	s31 =	sshll.u32 s1, $0xD;
	s1 =	sshrl.u32 s1, $0x2  }
0xba: {  	s3 =	sand.u32 $0x4000, s31;
	s1 =	sadd.s32 s1, s30  }
0xbb: {  	s0 =	sor.u32 s3, s0;
	s1 =	sshll.u32 s1, $0x11  }
0xbc: {  	s0 =	sor.u32 s1, s0  }
0xbd: {  	s0 =	sadd.s32 $0x8F2B, s0  }
0xbe: {  	[sflag:s0] =	ssyncadd.remote.s32 $0x1  }
0xbf: {  	_ =	sfence.sel $0xFFFF  }
0xc0: {  	[dreg:$0x0] =	wrdreg $0xFFFFFFFF;
	(pc) =	sbr.abs _section_cstart, $3  }
0xc1: {  	[dreg:$0x1] =	wrdreg $0xFFFFFFFF  }
0xc2: {  	_ =	task.clear_ibuf [dreg:s6], $0x2FFFF;
	_ =	strace $0x9FFFFFFF  }
0xc3: {  	(tm) =	ssettm $0x7FFFFFFF  }
tec
execute0_lowered:
.L_overlay_start_1:
0x0: {  	(tag) =	ssettag $0x1  }
0x1: {  	s0 =	rddreg [dreg:$0x0]  }
0x2: {  	s2 =	rddreg [dreg:$0x1]  }
0x3: {  	s3 =	rddreg [dreg:$0x2]  }
0x4: {  	s1 =	srdreg.scid;
	s4 =	stileid.u32  }
0x5: {  	s14 =	simm.s32 $0x0;
	s16 =	simm.s32 $0x7;
	s18 =	simm.s32 $0xA00  }
0x6: {  	s19 =	simm.s32 $0x7D;
	s28 =	simm.s32 $0x4;
	s29 =	simm.s32 $0x5  }
0x7: {  	s30 =	simm.s32 $0x6;
	s31 =	simm.s32 $0x980;
	s1 =	sand.u32 $0x1, s1  }
0x8: {  	s9 =	smul.u32 $0x271, s4;
	[smem:$0x7FF] =	sst s14;
	s5 =	sadd.s32 $0x17400, s0  }
0x9: {  	s6 =	sadd.s32 $0x2AE00, s0;
	s7 =	sadd.s32 $0xD400, s0;
	s8 =	sadd.s32 $0x3400, s0  }
0xa: {  	s20 =	sadd.s32 $0x3EC00, s0;
	s11 =	smul.u32 $0x9C40, s4;
	s23 =	sshll.u32 s4, $0x1  }
0xb: {  	s12 =	sshll.u32 s4, $0x6;
	s10 =	smul.u32 $0x2710, s1;
	_ =	strace $0x8000004A  }
0xc: {  	[dreg:$0x5] =	wrdreg s20;
	s21 =	ssub.s32 $0x2, s1;
	s1 =	sor.u32 s1, s23  }
0xd: {  	s20 =	simm.s32 $0x1400;
	s23 =	simm.s32 $0x71C0;
	s22 =	sshrl.u32 s21, $0x1  }
0xe: {  	s13 =	sadd.s32 s11, s2;
	s24 =	sadd.s32 s11, s3;
	s9 =	sadd.s32 s9, s10  }
0xf: {  	s11 =	smul.u32 $0x2800, s1;
	s1 =	simm.s32 $0x1300;
	s9 =	sshll.u32 s9, $0x3  }
0x10: {  	s10 =	sor.u32 $0x1C07, s12;
	s12 =	simm.s32 $0x900;
	s0 =	sadd.s32 s9, s0  }
0x11: {  	[dreg:$0x6] =	wrdreg s10;
	s9 =	ssub.s32 s21, s22;
	s25 =	sadd.s32 $0x67200, s0  }
0x12: {  	s21 =	simm.s32 $0x3340;
	s0 =	sadd.s32 $0x40000, s0;
	[dreg:$0x7] =	wrdreg s25  }
0x13: {  	s22 =	simm.s32 $0x5280;
	s26 =	smax.u32 s9, $0x1;
	[dreg:$0x8] =	wrdreg s0  }
0x14: {  	s9 =	sshrl.u32 s13, $0x3;
	s13 =	sshrl.u32 s24, $0x3;
	[dreg:$0x9] =	wrdreg s26  }
0x15: {  	s24 =	simm.s32 $0x1;
	s25 =	simm.s32 $0x2;
	[dreg:$0xa] =	wrdreg s9  }
0x16: {  	s26 =	simm.s32 $0x3;
	s0 =	simm.s32 $0x1380;
	[dreg:$0xb] =	wrdreg s13  }
.LBB2_1:
0x17: {  	[dreg:$0x4] =	wrdreg s14  }
0x18: {  	s4 =	rddreg [dreg:$0x5]  }
0x19: {  	[spmem:s9], [sflag:s10] =	dma.local [hbm:s4], $0x1388  }
0x1a: {  	_ =	swait.ge [sflag:s16], $0x1388  }
0x1b: {  	[sflag:s16] =	ssyncset.done $0x0  }
0x1c: {  	[sflag:s16] =	ssyncadd.s32 $0xFFFFEC78  }
0x1d: {  	[spmem:s13], [sflag:s10] =	dma.local [hbm:s4], $0x1388  }
0x1e: {  	_ =	swait.ge [sflag:s16], $0x1388  }
0x1f: {  	[sflag:s16] =	ssyncset.done $0x0  }
0x20: {  	[sflag:s16] =	ssyncadd.s32 $0xFFFFEC78  }
0x21: {  	s13 =	simm.s32 $0x0;
	[bflag:$0x0] =	sbarrier.arrive $0xFFFF  }
.LBB2_2:
0x22: {  	s9 =	smul.u32 $0xA00, s13;
	_ =	sdelay $0x1  }
0x23: {  	s9 =	sadd.s32 s11, s9  }
0x24: {  	s9 =	sshrl.u32 s9, $0x3  }
0x25: {  	s15 =	simm.s32 $0x0;
	s14 =	sadd.s32 s7, s9  }
0x26: {  	[tilespmem:s15], [sflag:$0x7] =	stream.linear.gather [hbm4b:s14+s15], $0xA00, $0x38;
	[tilespmem:$0x1C980] =	vst v63  }
0x27: {  	_ =	swait.ge [sflag:s16], $0xA00  }
0x28: {  	[sflag:s16] =	ssyncset.done $0x0  }
0x29: {  	s9 =	sadd.s32 s8, s9;
	[sflag:s16] =	ssyncadd.s32 $0xFFFFF600  }
0x2a: {  	[tilespmem:s18], [sflag:$0x7] =	stream.linear.gather [hbm4b:s9+s15], $0xA00, $0x38;
	[tilespmem:$0x1C980] =	vst v63  }
0x2b: {  	_ =	swait.ge [sflag:s16], $0xA00  }
0x2c: {  	[sflag:s16] =	ssyncset.done $0x0  }
0x2d: {  	[sflag:s16] =	ssyncadd.s32 $0xFFFFF600  }
0x2e: {  	[tilespmem:s20], [sflag:$0x1] =	stream.indirect.gather [hbm4b:s5+s19], $0x40, s15, s19, $0xb8;
	[tilespmem:$0x1C980] =	vst v63  }
0x2f: {  	_ = 	snop  }
0x30: {  	[tilespmem:s21], [sflag:$0x2] =	stream.indirect.gather [hbm4b:s6+s19], $0x40, s18, s19, $0xb8;
	[tilespmem:$0x1C980] =	vst v63  }
0x31: {  	s9 =	simm.s32 $0x80  }
0x32: {  	[tilespmem:s22], [sflag:$0x3] =	stream.indirect.gather [hbm4b:s5+s19], $0x40, s9, s19, $0xb8;
	[tilespmem:$0x1C980] =	vst v63  }
0x33: {  	s17 =	simm.s32 $0xA80  }
0x34: {  	[tilespmem:s23], [sflag:$0x4] =	stream.indirect.gather [hbm4b:s6+s19], $0x40, s17, s19, $0xb8;
	[tilespmem:$0x1C980] =	vst v63  }
0x35: {  	_ =	swait.ge [sflag:s24], $0x1F40  }
0x36: {  	[sflag:s24] =	ssyncset.done $0x0  }
0x37: {  	[sflag:s24] =	ssyncadd.s32 $0xFFFFE0C0  }
0x38: {  	_ =	swait.ge [sflag:s25], $0x1F40  }
0x39: {  	[sflag:s25] =	ssyncset.done $0x0  }
0x3a: {  	s4 =	simm.s32 $0xA00;
	[sflag:s25] =	ssyncadd.s32 $0xFFFFE0C0  }
0x3b: {  	[spmem:s2] =	stream.indirect.scatter.add.f32 [tilespmem:s20], [sflag:$0x5], $0x40, s4, s19, $0xb8;
	[tilespmem:$0x1C980] =	vst v63  }
0x3c: {  	s10 =	simm.s32 $0x0  }
0x3d: {  	[spmem:s3] =	stream.indirect.scatter.add.f32 [tilespmem:s21], [sflag:$0x5], $0x40, s10, s19, $0xb8;
	[tilespmem:$0x1C980] =	vst v63  }
0x3e: {  	_ =	swait.ge [sflag:s26], $0x1F40  }
0x3f: {  	[sflag:s26] =	ssyncset.done $0x0  }
0x40: {  	[sflag:s26] =	ssyncadd.s32 $0xFFFFE0C0  }
0x41: {  	_ =	swait.ge [sflag:s28], $0x1F40  }
0x42: {  	[sflag:s28] =	ssyncset.done $0x0  }
0x43: {  	[sflag:s28] =	ssyncadd.s32 $0xFFFFE0C0  }
0x44: {  	[spmem:s2] =	stream.indirect.scatter.add.f32 [tilespmem:s22], [sflag:$0x6], $0x40, s17, s19, $0xb8;
	[tilespmem:$0x1C980] =	vst v63  }
0x45: {  	_ = 	snop  }
0x46: {  	[spmem:s3] =	stream.indirect.scatter.add.f32 [tilespmem:s23], [sflag:$0x6], $0x40, s9, s19, $0xb8;
	[tilespmem:$0x1C980] =	vst v63  }
0x47: {  	_ =	swait.ge [sflag:s29], $0x1F40  }
0x48: {  	[sflag:s29] =	ssyncset.done $0x0  }
0x49: {  	[sflag:s29] =	ssyncadd.s32 $0xFFFFE0C0  }
0x4a: {  	_ =	swait.ge [sflag:s29], $0x1F40  }
0x4b: {  	[sflag:s29] =	ssyncset.done $0x0  }
0x4c: {  	s15 =	simm.s32 $0x100;
	[sflag:s29] =	ssyncadd.s32 $0xFFFFE0C0  }
0x4d: {  	[tilespmem:s20], [sflag:$0x1] =	stream.indirect.gather [hbm4b:s5+s19], $0x40, s15, s19, $0xb8;
	[tilespmem:$0x1C980] =	vst v63  }
0x4e: {  	s17 =	simm.s32 $0xB00  }
0x4f: {  	[tilespmem:s21], [sflag:$0x2] =	stream.indirect.gather [hbm4b:s6+s19], $0x40, s17, s19, $0xb8;
	[tilespmem:$0x1C980] =	vst v63  }
0x50: {  	_ =	swait.ge [sflag:s30], $0x1F40  }
0x51: {  	[sflag:s30] =	ssyncset.done $0x0  }
0x52: {  	[sflag:s30] =	ssyncadd.s32 $0xFFFFE0C0  }
0x53: {  	_ =	swait.ge [sflag:s30], $0x1F40  }
0x54: {  	s14 =	simm.s32 $0x100;
	s9 =	simm.s32 $0x800;
	[sflag:s30] =	ssyncset.done $0x0  }
.LBB2_3:
0x55: {  	s10 =	sadd.s32 $0x80, s14  }
0x56: {  	[sflag:s30] =	ssyncadd.s32 $0xFFFFE0C0;
	s15 =	smov.u32 s9;
	s17 =	sadd.s32 $0x400, s9  }
0x57: {  	[tilespmem:s22], [sflag:$0x3] =	stream.indirect.gather [hbm4b:s5+s19], $0x40, s10, s19, $0xb8;
	[tilespmem:$0x1C980] =	vst v63  }
0x58: {  	p0 =	sne.s32 s9, $0x2000;
	s9 =	sadd.s32 $0xA80, s14  }
0x59: {  	[tilespmem:s23], [sflag:$0x4] =	stream.indirect.gather [hbm4b:s6+s19], $0x40, s9, s19, $0xb8;
	[tilespmem:$0x1C980] =	vst v63  }
0x5a: {  	_ =	swait.ge [sflag:s24], $0x1F40  }
0x5b: {  	[sflag:s24] =	ssyncset.done $0x0  }
0x5c: {  	[sflag:s24] =	ssyncadd.s32 $0xFFFFE0C0  }
0x5d: {  	_ =	swait.ge [sflag:s25], $0x1F40  }
0x5e: {  	[sflag:s25] =	ssyncset.done $0x0  }
0x5f: {  	s4 =	sadd.s32 $0xA00, s14;
	[sflag:s25] =	ssyncadd.s32 $0xFFFFE0C0  }
0x60: {  	[spmem:s2] =	stream.indirect.scatter.add.f32 [tilespmem:s20], [sflag:$0x5], $0x40, s4, s19, $0xb8;
	[tilespmem:$0x1C980] =	vst v63  }
0x61: {  	_ = 	snop  }
0x62: {  	[spmem:s3] =	stream.indirect.scatter.add.f32 [tilespmem:s21], [sflag:$0x5], $0x40, s14, s19, $0xb8;
	[tilespmem:$0x1C980] =	vst v63  }
0x63: {  	_ =	swait.ge [sflag:s26], $0x1F40  }
0x64: {  	[sflag:s26] =	ssyncset.done $0x0  }
0x65: {  	[sflag:s26] =	ssyncadd.s32 $0xFFFFE0C0  }
0x66: {  	_ =	swait.ge [sflag:s28], $0x1F40  }
0x67: {  	[sflag:s28] =	ssyncset.done $0x0  }
0x68: {  	[sflag:s28] =	ssyncadd.s32 $0xFFFFE0C0  }
0x69: {  	[spmem:s2] =	stream.indirect.scatter.add.f32 [tilespmem:s22], [sflag:$0x6], $0x40, s9, s19, $0xb8;
	[tilespmem:$0x1C980] =	vst v63  }
0x6a: {  	_ = 	snop  }
0x6b: {  	[spmem:s3] =	stream.indirect.scatter.add.f32 [tilespmem:s23], [sflag:$0x6], $0x40, s10, s19, $0xb8;
	[tilespmem:$0x1C980] =	vst v63  }
0x6c: {  	_ =	swait.ge [sflag:s29], $0x1F40  }
0x6d: {  	[sflag:s29] =	ssyncset.done $0x0  }
0x6e: {  	[sflag:s29] =	ssyncadd.s32 $0xFFFFE0C0  }
0x6f: {  	_ =	swait.ge [sflag:s29], $0x1F40  }
0x70: {  	[sflag:s29] =	ssyncset.done $0x0  }
0x71: {  	s4 =	sadd.s32 $0x100, s14;
	[sflag:s29] =	ssyncadd.s32 $0xFFFFE0C0  }
0x72: {  	[tilespmem:s20], [sflag:$0x1] =	stream.indirect.gather [hbm4b:s5+s19], $0x40, s4, s19, $0xb8;
	[tilespmem:$0x1C980] =	vst v63  }
0x73: {  	s4 =	sadd.s32 $0xB00, s14  }
0x74: {  	[tilespmem:s21], [sflag:$0x2] =	stream.indirect.gather [hbm4b:s6+s19], $0x40, s4, s19, $0xb8;
	[tilespmem:$0x1C980] =	vst v63  }
.Ltmp0:
0x75: {  	_ =	swait.ge [sflag:s30], $0x1F40;
	(pc) =	sbr.rel @p0 .LBB2_3-.Ltmp0, $4  }
0x76: {  	[sflag:s30] =	ssyncset.done $0x0  }
0x77: {  	[sflag:s30] =	ssyncadd.s32 $0xFFFFE0C0  }
0x78: {  	_ =	swait.ge [sflag:s30], $0x1F40  }
0x79: {  	s9 =	smov.u32 s17;
	s14 =	sshra.s32 s15, $0x2;
	[sflag:s30] =	ssyncset.done $0x0  }
0x7a: {  	s4 =	sadd.s32 $0x80, s14;
	[sflag:s30] =	ssyncadd.s32 $0xFFFFE0C0  }
0x7b: {  	[tilespmem:s22], [sflag:$0x3] =	stream.indirect.gather [hbm4b:s5+s19], $0x40, s4, s19, $0xb8;
	[tilespmem:$0x1C980] =	vst v63  }
0x7c: {  	s9 =	sadd.s32 $0xA80, s14  }
0x7d: {  	[tilespmem:s23], [sflag:$0x4] =	stream.indirect.gather [hbm4b:s6+s19], $0x40, s9, s19, $0xb8;
	[tilespmem:$0x1C980] =	vst v63  }
0x7e: {  	_ =	swait.ge [sflag:s24], $0x1F40  }
0x7f: {  	[sflag:s24] =	ssyncset.done $0x0  }
0x80: {  	[sflag:s24] =	ssyncadd.s32 $0xFFFFE0C0  }
0x81: {  	_ =	swait.ge [sflag:s25], $0x1F40  }
0x82: {  	[sflag:s25] =	ssyncset.done $0x0  }
0x83: {  	s10 =	sadd.s32 $0xA00, s14;
	[sflag:s25] =	ssyncadd.s32 $0xFFFFE0C0  }
0x84: {  	[spmem:s2] =	stream.indirect.scatter.add.f32 [tilespmem:s20], [sflag:$0x5], $0x40, s10, s19, $0xb8;
	[tilespmem:$0x1C980] =	vst v63  }
0x85: {  	_ = 	snop  }
0x86: {  	[spmem:s3] =	stream.indirect.scatter.add.f32 [tilespmem:s21], [sflag:$0x5], $0x40, s14, s19, $0xb8;
	[tilespmem:$0x1C980] =	vst v63  }
0x87: {  	_ =	swait.ge [sflag:s26], $0x1F40  }
0x88: {  	[sflag:s26] =	ssyncset.done $0x0  }
0x89: {  	[sflag:s26] =	ssyncadd.s32 $0xFFFFE0C0  }
0x8a: {  	_ =	swait.ge [sflag:s28], $0x1F40  }
0x8b: {  	[sflag:s28] =	ssyncset.done $0x0  }
0x8c: {  	[sflag:s28] =	ssyncadd.s32 $0xFFFFE0C0  }
0x8d: {  	[spmem:s2] =	stream.indirect.scatter.add.f32 [tilespmem:s22], [sflag:$0x6], $0x40, s9, s19, $0xb8;
	[tilespmem:$0x1C980] =	vst v63  }
0x8e: {  	_ = 	snop  }
0x8f: {  	[spmem:s3] =	stream.indirect.scatter.add.f32 [tilespmem:s23], [sflag:$0x6], $0x40, s4, s19, $0xb8;
	[tilespmem:$0x1C980] =	vst v63  }
0x90: {  	_ =	swait.ge [sflag:s29], $0x1F40  }
0x91: {  	[sflag:s29] =	ssyncset.done $0x0  }
0x92: {  	[sflag:s29] =	ssyncadd.s32 $0xFFFFE0C0  }
0x93: {  	_ =	swait.ge [sflag:s29], $0x1F40  }
0x94: {  	[sflag:s29] =	ssyncset.done $0x0  }
0x95: {  	s15 =	sadd.s32 $0x100, s14;
	[sflag:s29] =	ssyncadd.s32 $0xFFFFE0C0  }
0x96: {  	[tilespmem:s20], [sflag:$0x1] =	stream.indirect.gather [hbm4b:s5+s19], $0x40, s15, s19, $0xb8;
	[tilespmem:$0x1C980] =	vst v63  }
0x97: {  	s17 =	sadd.s32 $0xB00, s14  }
0x98: {  	[tilespmem:s21], [sflag:$0x2] =	stream.indirect.gather [hbm4b:s6+s19], $0x40, s17, s19, $0xb8;
	[tilespmem:$0x1C980] =	vst v63  }
0x99: {  	_ =	swait.ge [sflag:s30], $0x1F40  }
0x9a: {  	[sflag:s30] =	ssyncset.done $0x0  }
0x9b: {  	[sflag:s30] =	ssyncadd.s32 $0xFFFFE0C0  }
0x9c: {  	_ =	swait.ge [sflag:s30], $0x1F40  }
0x9d: {  	[sflag:s30] =	ssyncset.done $0x0  }
0x9e: {  	[sflag:s30] =	ssyncadd.s32 $0xFFFFE0C0  }
0x9f: {  	[tilespmem:s22], [sflag:$0x3] =	stream.indirect.gather [hbm4b:s5+s19], $0x40, s31, s19, $0xb8;
	[tilespmem:$0x1C980] =	vst v63  }
0xa0: {  	_ = 	snop  }
0xa1: {  	[tilespmem:s23], [sflag:$0x4] =	stream.indirect.gather [hbm4b:s6+s19], $0x40, s0, s19, $0xb8;
	[tilespmem:$0x1C980] =	vst v63  }
0xa2: {  	_ =	swait.ge [sflag:s24], $0x1F40  }
0xa3: {  	[sflag:s24] =	ssyncset.done $0x0  }
0xa4: {  	[sflag:s24] =	ssyncadd.s32 $0xFFFFE0C0  }
0xa5: {  	_ =	swait.ge [sflag:s25], $0x1F40  }
0xa6: {  	[sflag:s25] =	ssyncset.done $0x0  }
0xa7: {  	[sflag:s25] =	ssyncadd.s32 $0xFFFFE0C0  }
0xa8: {  	[spmem:s2] =	stream.indirect.scatter.add.f32 [tilespmem:s20], [sflag:$0x5], $0x40, s1, s19, $0xb8;
	[tilespmem:$0x1C980] =	vst v63  }
0xa9: {  	_ = 	snop  }
0xaa: {  	[spmem:s3] =	stream.indirect.scatter.add.f32 [tilespmem:s21], [sflag:$0x5], $0x40, s12, s19, $0xb8;
	[tilespmem:$0x1C980] =	vst v63  }
0xab: {  	_ =	swait.ge [sflag:s26], $0x1F40  }
0xac: {  	[sflag:s26] =	ssyncset.done $0x0  }
0xad: {  	[sflag:s26] =	ssyncadd.s32 $0xFFFFE0C0  }
0xae: {  	_ =	swait.ge [sflag:s28], $0x1F40  }
0xaf: {  	[sflag:s28] =	ssyncset.done $0x0  }
0xb0: {  	[sflag:s28] =	ssyncadd.s32 $0xFFFFE0C0  }
0xb1: {  	[spmem:s2] =	stream.indirect.scatter.add.f32 [tilespmem:s22], [sflag:$0x6], $0x40, s0, s19, $0xb8;
	[tilespmem:$0x1C980] =	vst v63  }
0xb2: {  	_ = 	snop  }
0xb3: {  	[spmem:s3] =	stream.indirect.scatter.add.f32 [tilespmem:s23], [sflag:$0x6], $0x40, s31, s19, $0xb8;
	[tilespmem:$0x1C980] =	vst v63  }
0xb4: {  	_ =	swait.ge [sflag:s29], $0x1F40  }
0xb5: {  	[sflag:s29] =	ssyncset.done $0x0  }
0xb6: {  	[sflag:s29] =	ssyncadd.s32 $0xFFFFE0C0  }
0xb7: {  	_ =	swait.ge [sflag:s29], $0x1F40  }
0xb8: {  	[sflag:s29] =	ssyncset.done $0x0  }
0xb9: {  	s13 =	sadd.s32 $0x1, s13;
	[sflag:s29] =	ssyncadd.s32 $0xFFFFE0C0  }
0xba: {  	p0 =	sne.s32 s13, $0x4;
	_ =	swait.ge [sflag:s30], $0x1F40  }
.Ltmp1:
0xbb: {  	[sflag:s30] =	ssyncset.done $0x0;
	(pc) =	sbr.rel @p0 .LBB2_2-.Ltmp1, $4  }
0xbc: {  	[sflag:s30] =	ssyncadd.s32 $0xFFFFE0C0  }
0xbd: {  	_ =	swait.ge [sflag:s30], $0x1F40  }
0xbe: {  	[sflag:s30] =	ssyncset.done $0x0  }
0xbf: {  	[sflag:s30] =	ssyncadd.s32 $0xFFFFE0C0  }
0xc0: {  	[bflag:$0x0] =	sbarrier.arrive $0xFFFF  }
0xc1: {  	s10 =	rddreg [dreg:$0x6]  }
0xc2: {  	s4 =	rddreg [dreg:$0x7]  }
0xc3: {  	s9 =	rddreg [dreg:$0xa]  }
0xc4: {  	[hbm:s4], [sflag:s10] =	dma.local [spmem:s9], $0x1388  }
0xc5: {  	_ =	swait.ge [sflag:s16], $0x1388  }
0xc6: {  	[sflag:s16] =	ssyncset.done $0x0;
	s15 =	rddreg [dreg:$0x8]  }
0xc7: {  	s13 =	rddreg [dreg:$0xb];
	[sflag:s16] =	ssyncadd.s32 $0xFFFFEC78  }
0xc8: {  	[hbm:s15], [sflag:s10] =	dma.local [spmem:s13], $0x1388  }
0xc9: {  	_ =	swait.ge [sflag:s16], $0x1388  }
0xca: {  	s14 =	rddreg [dreg:$0x4]  }
0xcb: {  	s17 =	rddreg [dreg:$0x9];
	s14 =	sadd.s32 $0x1, s14  }
0xcc: {  	p0 =	sne.s32 s14, s17  }
.Ltmp2:
0xcd: {  	_ = 	snop;
	(pc) =	sbr.rel @p0 .LBB2_1-.Ltmp2, $3  }
0xce: {  	_ =	sdelay $0x1  }
0xcf: {  	[sflag:s16] =	ssyncset.done $0x0  }
0xd0: {  	[sflag:s16] =	ssyncadd.s32 $0xFFFFEC78  }
0xd1: {  	_ =	sfence.sel $0x180000  }
0xd2: {  	[bflag:$0x0] =	sbarrier.arrive $0xFFFF  }
0xd3: {  	_ =	strace $0x9000004A  }
0xd4: {  	s0 =	stileid.u32;
	[bflag:$0x2] =	sbarrier.arrive $0xFFFF  }
0xd5: {  	p0 =	sne.s32 s0, $0x0;
	s0 =	rddreg [dreg:$0x3]  }
0xd6: {  	s0 =	sadd.s32 @!p0 $0x100000, s0  }
0xd7: {  	[sflag:s0] =	ssyncadd.tile.s32 @!p0 $0x1;
	_ =	shalt  }
.Lfunc_end2:
_tile_overlayer_lowered:
.L_overlay_start_2:
0xd8: {  	(tag) =	ssettag $0x2  }
0xd9: {  	s0 =	rddreg [dreg:$0x0];
	s2 =	stileid.u32  }
0xda: {  	s1 =	rddreg [dreg:$0x1];
	p0 =	sne.s32 s2, $0x0  }
0xdb: {  	s3 =	rddreg [dreg:$0x2];
	[bflag:$0x3] =	sbarrier.arrive $0xFFFF;
	s2 =	simm.s32 @!p0 $0x1C07  }
0xdc: {  	[timem:s3], [sflag:s2] =	dma.local @!p0 [hbm:s0], s1  }
0xdd: {  	s0 =	simm.s32 @!p0 $0x7  }
0xde: {  	_ =	swait.ge @!p0 [sflag:s0], s1  }
0xdf: {  	s1 =	ssub.s32 @!p0 $0x0, s1;
	[sflag:s0] =	ssyncset.done @!p0 $0x0  }
0xe0: {  	[sflag:s0] =	ssyncadd.s32 @!p0 s1  }
0xe1: {  	[bflag:$0x3] =	sbarrier.arrive $0xFFFF  }
0xe2: {  	_ =	shalt  }

// kernel: kernel.7.cloned.1.call-start
scs
__scs_entry_jumppad:
0x0: {  	(pc) =	sbr.rel $0x88, $3  }
0x1: {  	(tag) =	ssettag $0x0;
	lr =	simm.s32 $0x1  }
0x2: {  	[smem:$0x3F8F] =	sst lr;
	_ =	strace $0xD0000000  }
0x3: {  	_ = 	snop  }
0x4: {  	_ = 	snop  }
0x5: {  	_ = 	snop  }
0x6: {  	_ = 	snop  }
0x7: {  	_ = 	snop  }
__scs_overlays_trampoline_lowered:
0x8: {  	[smem:$0x3F9E] =	sst s0  }
0x9: {  	[smem:$0x3F9F] =	sst s1  }
0xa: {  	[smem:$0x3FA0] =	sst s2  }
0xb: {  	[smem:$0x3FA1] =	sst s3  }
0xc: {  	[smem:$0x3FA2] =	sst s4  }
0xd: {  	[smem:$0x3FA3] =	sst s5  }
0xe: {  	[smem:$0x3FA4] =	sst s6  }
0xf: {  	[smem:$0x3FA5] =	sst s7  }
0x10: {  	[smem:$0x3FA6] =	sst s8  }
0x11: {  	[smem:$0x3FA7] =	sst s9;
	s0 =	simm.s32 @!p0 $0x0  }
0x12: {  	s1 =	sld [smem:$0x3F8D];
	s0 =	simm.s32 @p0 $0x1  }
0x13: {  	[smem:$0x3FA8] =	sst s0;
	s0 =	simm.s32 @!p1 $0x0  }
0x14: {  	s2 =	sld [smem:$0x3F8C];
	s0 =	simm.s32 @p1 $0x1  }
0x15: {  	[smem:$0x3FA9] =	sst s0;
	s0 =	simm.s32 @!p2 $0x0  }
0x16: {  	s3 =	sld [smem:$0x3FDB];
	s0 =	simm.s32 @p2 $0x1  }
0x17: {  	s4 =	simm.s32 $0x1BF5;
	[smem:$0x3FAB] =	sst s0  }
0x18: {  	s0 =	sld [smem:$0x3F8E];
	_ =	swait.ge [sflag:s4], $0x0  }
0x19: {  	s7 =	sld [smem:$0x3F8F]  }
0x1a: {  	s8 =	sadd.s32 $0xFFFFE003, lr  }
0x1b: {  	s9 =	sadd.s32 $0xFFFFFEF7, lr;
	s5 =	simm.s32 $0xFFFFFFFF;
	p2 =	slt.u32 s8, $0xFFFFF086  }
0x1c: {  	p1 =	slt.u32 s9, $0xF7A;
	s5 =	simm.s32 @!p2 $0x0  }
0x1d: {  	s5 =	simm.s32 @p1 $0x1;
	p0 =	seq.s32 s7, s2  }
0x1e: {  	s7 =	smul.u32 @!p0 $0xF7A, s2;
	p2 =	seq.s32 @!p0 s5, $0x0  }
0x1f: {  	s9 =	smul.u32 $0xF7A, s1;
	s8 =	simm.s32 @!p0 $0x1BF5;
	p2 =	por !p2, p0  }
0x20: {  	[sflag:s8] =	ssyncset.s32 @!p0 $0xFFFFF086;
	s6 =	sadd.s32 @!p0 s3, s7;
	s7 =	simm.s32 @!p0 $0x108  }
0x21: {  	s3 =	sadd.s32 s3, s9;
	s6 =	sadd.s32 @!p0 $0x88, s6;
	s7 =	simm.s32 @p2 $0x1082  }
0x22: {  	[simem:s7], [sflag:s8] =	dma.local @!p0 [hbm:s6], $0xF7A  }
0x23: {  	s9 =	sor.u32 $0xD0000000, s2;
	s6 =	simm.s32 $0x108;
	_ =	swait.ge @!p0 [sflag:s8], $0x0  }
0x24: {  	s3 =	sadd.s32 $0x88, s3;
	s6 =	simm.s32 @!p1 $0x1082;
	[sflag:s4] =	ssyncset.s32 $0xFFFFF086  }
0x25: {  	[simem:s6], [sflag:s4] =	dma.local [hbm:s3], $0xF7A  }
0x26: {  	[smem:$0x3F8F] =	sst s1;
	(tag) =	ssettag s2;
	_ =	strace s9  }
0x27: {  	s1 =	sld [smem:$0x3F9F]  }
0x28: {  	s2 =	sld [smem:$0x3FA0]  }
0x29: {  	s4 =	sld [smem:$0x3FA2]  }
0x2a: {  	p0 =	seq.s32 s5, $0x0;
	s5 =	sld [smem:$0x3FA3]  }
0x2b: {  	s6 =	sld [smem:$0x3FA4]  }
0x2c: {  	s7 =	sld [smem:$0x3FA5]  }
0x2d: {  	s3 =	simm.s32 $0x108;
	s8 =	sld [smem:$0x3FA6]  }
0x2e: {  	s3 =	simm.s32 @!p0 $0x1082;
	s9 =	sld [smem:$0x3FA7]  }
0x2f: {  	lr =	sadd.s32 s0, s3;
	s0 =	sld [smem:$0x3F9E]  }
0x30: {  	s3 =	sld [smem:$0x3FA1]  }
0x31: {  	[smem:$0x3FAA] =	sst s10  }
0x32: {  	s10 =	sld [smem:$0x3FA8];
	_ =	sdelay $0x3  }
0x33: {  	p0 =	seq.s32 s10, $0x1;
	s10 =	sld [smem:$0x3FAA];
	_ =	sdelay $0x3  }
0x34: {  	[smem:$0x3FAA] =	sst s10  }
0x35: {  	s10 =	sld [smem:$0x3FA9];
	_ =	sdelay $0x3  }
0x36: {  	p1 =	seq.s32 s10, $0x1;
	s10 =	sld [smem:$0x3FAA];
	_ =	sdelay $0x3  }
0x37: {  	[smem:$0x3FAA] =	sst s10  }
0x38: {  	s10 =	sld [smem:$0x3FAB]  }
0x39: {  	_ = 	snop;
	(pc) =	sbr.ind lr, $3  }
0x3a: {  	_ = 	snop  }
0x3b: {  	_ = 	snop  }
0x3c: {  	p2 =	seq.s32 s10, $0x1;
	s10 =	sld [smem:$0x3FAA]  }
0x3d: {  	_ =	shalt  }
0x3e: {  	_ =	shalt  }
0x3f: {  	_ =	shalt  }
0x40: {  	_ =	shalt  }
0x41: {  	_ =	shalt  }
0x42: {  	_ =	shalt  }
0x43: {  	_ =	shalt  }
0x44: {  	_ =	shalt  }
0x45: {  	_ =	shalt  }
0x46: {  	_ =	shalt  }
0x47: {  	_ =	shalt  }
0x48: {  	_ =	shalt  }
0x49: {  	_ =	shalt  }
0x4a: {  	_ =	shalt  }
0x4b: {  	_ =	shalt  }
0x4c: {  	_ =	shalt  }
0x4d: {  	_ =	shalt  }
0x4e: {  	_ =	shalt  }
0x4f: {  	_ =	shalt  }
0x50: {  	_ =	shalt  }
0x51: {  	_ =	shalt  }
0x52: {  	_ =	shalt  }
0x53: {  	_ =	shalt  }
0x54: {  	_ =	shalt  }
0x55: {  	_ =	shalt  }
0x56: {  	_ =	shalt  }
0x57: {  	_ =	shalt  }
0x58: {  	_ =	shalt  }
0x59: {  	_ =	shalt  }
0x5a: {  	_ =	shalt  }
0x5b: {  	_ =	shalt  }
0x5c: {  	_ =	shalt  }
0x5d: {  	_ =	shalt  }
0x5e: {  	_ =	shalt  }
0x5f: {  	_ =	shalt  }
0x60: {  	_ =	shalt  }
0x61: {  	_ =	shalt  }
0x62: {  	_ =	shalt  }
0x63: {  	_ =	shalt  }
0x64: {  	_ =	shalt  }
0x65: {  	_ =	shalt  }
0x66: {  	_ =	shalt  }
0x67: {  	_ =	shalt  }
0x68: {  	_ =	shalt  }
0x69: {  	_ =	shalt  }
0x6a: {  	_ =	shalt  }
0x6b: {  	_ =	shalt  }
0x6c: {  	_ =	shalt  }
0x6d: {  	_ =	shalt  }
0x6e: {  	_ =	shalt  }
0x6f: {  	_ =	shalt  }
0x70: {  	_ =	shalt  }
0x71: {  	_ =	shalt  }
0x72: {  	_ =	shalt  }
0x73: {  	_ =	shalt  }
0x74: {  	_ =	shalt  }
0x75: {  	_ =	shalt  }
0x76: {  	_ =	shalt  }
0x77: {  	_ =	shalt  }
0x78: {  	_ =	shalt  }
0x79: {  	_ =	shalt  }
0x7a: {  	_ =	shalt  }
0x7b: {  	_ =	shalt  }
0x7c: {  	_ =	shalt  }
0x7d: {  	_ =	shalt  }
0x7e: {  	_ =	shalt  }
0x7f: {  	_ =	shalt  }
0x80: {  	_ =	shalt  }
0x81: {  	_ =	shalt  }
0x82: {  	_ =	shalt  }
0x83: {  	_ =	shalt  }
0x84: {  	_ =	shalt  }
0x85: {  	_ =	shalt  }
0x86: {  	_ =	shalt  }
0x87: {  	_ =	shalt  }
.Lfunc_end0:
.L_simem_size_0:
called_computation_lowered:
.L_overlay_start_0:
0x88: {  	s2 =	sld [smem:$0x3FD9]  }
0x89: {  	s3 =	sld [smem:$0x3FFE];
	_ =	sdelay $0x1  }
0x8a: {  	s1 =	srdreg.scid  }
0x8b: {  	s0 =	sand.u32 $0x1, s1  }
0x8c: {  	s16 =	sshll.u32 s0, $0xA;
	s2 =	sadd.s32 s3, s2  }
0x8d: {  	s2 =	sadd.s32 s2, s16  }
0x8e: {  	[smem:$0x3FB6] =	sst s2  }
0x8f: {  	_ = 	snop  }
0x90: {  	(tm) =	ssettm $0x1  }
0x91: {  	s17 =	sld [smem:$0x3FFB];
	_ =	sdelay $0x3  }
0x92: {  	_ =	strace s17  }
0x93: {  	s2 =	sld [smem:$0x3FFC];
	_ =	sdelay $0x3  }
0x94: {  	_ =	strace s2  }
0x95: {  	s2 =	sld [smem:$0x3FFD];
	_ =	sdelay $0x3  }
0x96: {  	_ =	strace s2  }
0x97: {  	_ =	strace $0x8FFFFFFF  }
0x98: {  	s18 =	sld [smem:$0x3FDB];
	_ =	sdelay $0x1  }
0x99: {  	s19 =	simm.s32 $_scs_section_size  }
0x9a: {  	s4 =	simm.s32 $_size__tile_overlayer_lowered;
	s5 =	simm.s32 $_tile_overlayer_lowered  }
0x9b: {  	s22 =	simm.s32 $0x1BFF;
	s21 =	sshll.u32 s5, $0x1;
	s2 =	sadd.s32 s19, s18  }
0x9c: {  	s6 =	simm.s32 $0x0;
	s20 =	sshll.u32 s4, $0x1;
	s4 =	sadd.s32 s21, s2  }
0x9d: {  	[timem:s6], [sflag:s22] =	dma.local [hbm:s4], s20  }
0x9e: {  	_ =	swait.ge [sflag:s22], s20  }
0x9f: {  	s3 =	ssub.s32 $0x0, s20;
	[sflag:s22] =	ssyncset.done $0x0  }
0xa0: {  	[sflag:s22] =	ssyncadd.s32 s3;
	_ =	sdelay $0x1  }
0xa1: {  	s23 =	simm.s32 $0x1B8B  }
0xa2: {  	_ =	swait.ge [sflag:s23], $0x1  }
0xa3: {  	[sflag:s23] =	ssyncset.done $0x0  }
0xa4: {  	s25 =	simm.s32 $0x1B8E;
	s24 =	sld [smem:$0x3FFE];
	[sflag:s23] =	ssyncadd.s32 $0xFFFFFFFF  }
0xa5: {  	s26 =	simm.s32 $execute0_lowered;
	[smem:$0x3FD2] =	sst s25  }
0xa6: {  	s4 =	sshll.u32 s26, $0x1;
	_ =	strace $0x80000046;
	[dreg:$0x1] =	wrdreg $0xFFFFFFFF  }
0xa7: {  	s28 =	simm.s32 $_size_execute0_lowered;
	s2 =	sadd.s32 s2, s4;
	[dreg:$0x0] =	wrdreg $0x0  }
0xa8: {  	s4 =	sshll.u32 s28, $0x1;
	[dreg:$0x2] =	wrdreg s2  }
0xa9: {  	[dreg:$0x3] =	wrdreg s4  }
0xaa: {  	[dreg:$0x4] =	wrdreg $0xC0  }
0xab: {  	_ =	task [dreg:s6], $0x5FFFF  }
0xac: {  	[dreg:$0x1] =	wrdreg $0xFFFFFFFF  }
0xad: {  	[dreg:$0x0] =	wrdreg $0x60  }
0xae: {  	[dreg:$0x2] =	wrdreg s24  }
0xaf: {  	[dreg:$0x3] =	wrdreg $0x91000  }
0xb0: {  	[dreg:$0x4] =	wrdreg $0x12D400  }
0xb1: {  	[dreg:$0x5] =	wrdreg $0x1D1500  }
0xb2: {  	[dreg:$0x6] =	wrdreg $0x9  }
0xb3: {  	_ =	task.clear_ibuf [dreg:s6], $0x7FFFF;
	_ =	strace $0x90000046  }
0xb4: {  	s29 =	simm.s32 $0x9;
	_ =	strace $0x80000048  }
0xb5: {  	_ =	swait.ge [sflag:s29], $0x1  }
0xb6: {  	[sflag:s29] =	ssyncadd.s32 $0xFFFFFFFF  }
0xb7: {  	_ =	strace $0x90000048  }
0xb8: {  	_ =	sfence  }
0xb9: {  	s30 =	sld [smem:$0x0];
	_ =	sdelay $0x2  }
0xba: {  	s31 =	sshll.u32 s1, $0xD;
	s1 =	sshrl.u32 s1, $0x2  }
0xbb: {  	s3 =	sand.u32 $0x4000, s31;
	s1 =	sadd.s32 s1, s30  }
0xbc: {  	s0 =	sor.u32 s3, s0;
	s1 =	sshll.u32 s1, $0x11  }
0xbd: {  	s0 =	sor.u32 s1, s0  }
0xbe: {  	s0 =	sadd.s32 $0x8F2B, s0  }
0xbf: {  	[sflag:s0] =	ssyncadd.remote.s32 $0x1  }
0xc0: {  	_ =	sfence.sel $0xFFFF  }
0xc1: {  	[dreg:$0x0] =	wrdreg $0xFFFFFFFF;
	(pc) =	sbr.abs _section_cstart, $3  }
0xc2: {  	[dreg:$0x1] =	wrdreg $0xFFFFFFFF  }
0xc3: {  	_ =	task.clear_ibuf [dreg:s6], $0x2FFFF;
	_ =	strace $0x9FFFFFFF  }
0xc4: {  	(tm) =	ssettm $0x7FFFFFFF  }
0xc5: {  	_ =	shalt  }
tec
execute0_lowered:
.L_overlay_start_1:
0x0: {  	(tag) =	ssettag $0x1  }
0x1: {  	s0 =	rddreg [dreg:$0x0]  }
0x2: {  	s1 =	rddreg [dreg:$0x1]  }
0x3: {  	s2 =	rddreg [dreg:$0x2]  }
0x4: {  	s4 =	rddreg [dreg:$0x3];
	s5 =	simm.s32 $0x0;
	s3 =	srdreg.scid  }
0x5: {  	s9 =	stileid.u32;
	s28 =	simm.s32 $0x7D;
	s29 =	simm.s32 $0x1400  }
0x6: {  	s30 =	simm.s32 $0x3340;
	s31 =	simm.s32 $0x5280;
	[smem:$0x7FF] =	sst s5  }
0x7: {  	s3 =	sand.u32 $0x1, s3;
	s12 =	smul.u32 $0x271, s9;
	s10 =	sadd.s32 $0xD400, s0  }
0x8: {  	s13 =	sadd.s32 $0x3400, s0;
	_ =	strace $0x80000047;
	[dreg:$0x5] =	wrdreg s10  }
0x9: {  	s6 =	sadd.s32 $0x17400, s0;
	s14 =	sadd.s32 $0x3EC00, s0;
	[dreg:$0x6] =	wrdreg s13  }
0xa: {  	s7 =	sadd.s32 $0x2AE00, s0;
	s15 =	sadd.s32 $0x3E800, s0;
	[dreg:$0x7] =	wrdreg s14  }
0xb: {  	s16 =	sadd.s32 $0x3200, s0;
	s11 =	smul.u32 $0x9C40, s9;
	[dreg:$0x8] =	wrdreg s15  }
0xc: {  	s20 =	sshll.u32 s9, $0x6;
	s8 =	smul.u32 $0x2710, s3;
	[dreg:$0x9] =	wrdreg s16  }
0xd: {  	s18 =	ssub.s32 $0x2, s3;
	s13 =	sshll.u32 s9, $0x1;
	s14 =	smul.u32 $0x4E20, s9  }
0xe: {  	s9 =	sor.u32 $0x1C07, s20;
	s15 =	simm.s32 $0x6;
	s16 =	simm.s32 $0x980  }
0xf: {  	s20 =	simm.s32 $0x900;
	s3 =	sor.u32 s3, s13;
	s19 =	sadd.s32 s11, s1  }
0x10: {  	s11 =	sadd.s32 s11, s2;
	s13 =	simm.s32 $0x0;
	[dreg:$0xa] =	wrdreg s9  }
0x11: {  	s5 =	sadd.s32 s12, s8;
	s12 =	sshrl.u32 s18, $0x1;
	s14 =	sshrl.u32 s14, $0x2  }
0x12: {  	[dreg:$0xb] =	wrdreg s11;
	s22 =	smul.u32 $0x2800, s3;
	s3 =	simm.s32 $0x1  }
0x13: {  	s11 =	simm.s32 $0x3;
	s17 =	sshll.u32 s5, $0x3;
	s5 =	sadd.s32 s5, s0  }
0x14: {  	s10 =	ssub.s32 s18, s12;
	s21 =	sadd.s32 s14, s4;
	s12 =	simm.s32 $0x4  }
0x15: {  	s14 =	simm.s32 $0x5;
	s18 =	simm.s32 $0x1380;
	[dreg:$0xc] =	wrdreg s21  }
0x16: {  	s8 =	sadd.s32 s17, s0;
	s0 =	sadd.s32 $0x327D, s0;
	[dreg:$0xe] =	wrdreg s22  }
0x17: {  	s25 =	sadd.s32 $0x8E400, s5;
	s26 =	smax.u32 s10, $0x1;
	[dreg:$0xd] =	wrdreg s0  }
0x18: {  	s10 =	sshrl.u32 s19, $0x3;
	s5 =	simm.s32 $0x2;
	[dreg:$0x11] =	wrdreg s25  }
0x19: {  	s19 =	simm.s32 $0x1300;
	s23 =	sadd.s32 $0x67200, s8;
	[dreg:$0x12] =	wrdreg s26  }
0x1a: {  	s24 =	sadd.s32 $0x40000, s8;
	s25 =	simm.s32 $0x1CD68;
	[dreg:$0x13] =	wrdreg s10  }
0x1b: {  	s26 =	simm.s32 $0xA00;
	s0 =	simm.s32 $0x71C0;
	[dreg:$0xf] =	wrdreg s23  }
0x1c: {  	[dreg:$0x10] =	wrdreg s24;
	s23 =	simm.s32 $0x7;
	s24 =	simm.s32 $0x1C980  }
.LBB2_1:
0x1d: {  	[dreg:$0x14] =	wrdreg s13  }
0x1e: {  	s8 =	rddreg [dreg:$0x7]  }
0x1f: {  	[spmem:s10], [sflag:s9] =	dma.local [hbm:s8], $0x1388  }
0x20: {  	_ =	swait.ge [sflag:s23], $0x1388  }
0x21: {  	s21 =	rddreg [dreg:$0xb]  }
0x22: {  	[sflag:s23] =	ssyncset.done $0x0;
	s10 =	sshrl.u32 s21, $0x3  }
0x23: {  	[sflag:s23] =	ssyncadd.s32 $0xFFFFEC78;
	[dreg:$0x15] =	wrdreg s10  }
0x24: {  	[spmem:s10], [sflag:s9] =	dma.local [hbm:s8], $0x1388  }
0x25: {  	_ =	swait.ge [sflag:s23], $0x1388  }
0x26: {  	s22 =	rddreg [dreg:$0xc]  }
0x27: {  	[sflag:s23] =	ssyncset.done $0x0;
	s13 =	rddreg [dreg:$0x8];
	s8 =	sshrl.u32 s22, $0x3  }
0x28: {  	[sflag:s23] =	ssyncadd.s32 $0xFFFFEC78;
	[dreg:$0x16] =	wrdreg s8  }
0x29: {  	[spmem:s8], [sflag:s9] =	dma.local [hbm:s13], $0x271  }
0x2a: {  	_ =	swait.ge [sflag:s23], $0x271  }
0x2b: {  	[sflag:s23] =	ssyncset.done $0x0  }
0x2c: {  	s17 =	simm.s32 $0x0;
	s21 =	rddreg [dreg:$0x9];
	[sflag:s23] =	ssyncadd.s32 $0xFFFFFD8F  }
0x2d: {  	[tilespmem:s24], [sflag:$0x7] =	stream.linear.gather [hbm4b:s21+s17], $0x3E8, $0x38;
	[tilespmem:$0x1E4D8] =	vst v63  }
0x2e: {  	_ =	swait.ge [sflag:s23], $0x3E8  }
0x2f: {  	[sflag:s23] =	ssyncset.done $0x0  }
0x30: {  	s22 =	rddreg [dreg:$0xd];
	[sflag:s23] =	ssyncadd.s32 $0xFFFFFC18  }
0x31: {  	[tilespmem:s25], [sflag:$0x7] =	stream.linear.gather [hbm4b:s22+s17], $0x3E8, $0x38;
	[tilespmem:$0x1E4D8] =	vst v63  }
0x32: {  	_ =	swait.ge [sflag:s23], $0x3E8  }
0x33: {  	[sflag:s23] =	ssyncset.done $0x0  }
0x34: {  	[sflag:s23] =	ssyncadd.s32 $0xFFFFFC18  }
0x35: {  	s10 =	simm.s32 $0x0;
	[bflag:$0x0] =	sbarrier.arrive $0xFFFF  }
.LBB2_2:
0x36: {  	s8 =	smul.u32 $0xA00, s10  }
0x37: {  	s9 =	rddreg [dreg:$0xe]  }
0x38: {  	s8 =	sadd.s32 s9, s8  }
0x39: {  	s21 =	rddreg [dreg:$0x5];
	s8 =	sshrl.u32 s8, $0x3  }
0x3a: {  	s13 =	sadd.s32 s21, s8;
	s21 =	simm.s32 $0x0  }
0x3b: {  	[tilespmem:s21], [sflag:$0x7] =	stream.linear.gather [hbm4b:s13+s21], $0xA00, $0x38;
	[tilespmem:$0x1E4D8] =	vst v63  }
0x3c: {  	_ =	swait.ge [sflag:s23], $0xA00  }
0x3d: {  	[sflag:s23] =	ssyncset.done $0x0;
	s22 =	rddreg [dreg:$0x6]  }
0x3e: {  	[sflag:s23] =	ssyncadd.s32 $0xFFFFF600;
	s8 =	sadd.s32 s22, s8  }
0x3f: {  	[tilespmem:s26], [sflag:$0x7] =	stream.linear.gather [hbm4b:s8+s21], $0xA00, $0x38;
	[tilespmem:$0x1E4D8] =	vst v63  }
0x40: {  	_ =	swait.ge [sflag:s23], $0xA00  }
0x41: {  	[sflag:s23] =	ssyncset.done $0x0  }
0x42: {  	[sflag:s23] =	ssyncadd.s32 $0xFFFFF600  }
0x43: {  	[tilespmem:s29], [sflag:$0x1] =	stream.indirect.gather [hbm4b:s6+s28], $0x40, s21, s28, $0xb8;
	[tilespmem:$0x1E4D8] =	vst v63  }
0x44: {  	_ = 	snop  }
0x45: {  	[tilespmem:s30], [sflag:$0x2] =	stream.indirect.gather [hbm4b:s7+s28], $0x40, s26, s28, $0xb8;
	[tilespmem:$0x1E4D8] =	vst v63  }
0x46: {  	s8 =	simm.s32 $0x80  }
0x47: {  	[tilespmem:s31], [sflag:$0x3] =	stream.indirect.gather [hbm4b:s6+s28], $0x40, s8, s28, $0xb8;
	[tilespmem:$0x1E4D8] =	vst v63  }
0x48: {  	s9 =	simm.s32 $0xA80  }
0x49: {  	[tilespmem:s0], [sflag:$0x4] =	stream.indirect.gather [hbm4b:s7+s28], $0x40, s9, s28, $0xb8;
	[tilespmem:$0x1E4D8] =	vst v63  }
0x4a: {  	_ =	swait.ge [sflag:s3], $0x1F40  }
0x4b: {  	[sflag:s3] =	ssyncset.done $0x0  }
0x4c: {  	[sflag:s3] =	ssyncadd.s32 $0xFFFFE0C0  }
0x4d: {  	_ =	swait.ge [sflag:s5], $0x1F40  }
0x4e: {  	[sflag:s5] =	ssyncset.done $0x0  }
0x4f: {  	s17 =	simm.s32 $0xA00;
	[sflag:s5] =	ssyncadd.s32 $0xFFFFE0C0  }
0x50: {  	[spmem:s1] =	stream.indirect.scatter.add.f32 [tilespmem:s29], [sflag:$0x5], $0x40, s17, s28, $0xb8;
	[tilespmem:$0x1E4D8] =	vst v63  }
0x51: {  	s22 =	simm.s32 $0x0  }
0x52: {  	[spmem:s2] =	stream.indirect.scatter.add.f32 [tilespmem:s30], [sflag:$0x5], $0x40, s22, s28, $0xb8;
	[tilespmem:$0x1E4D8] =	vst v63  }
0x53: {  	_ = 	snop  }
0x54: {  	[spmem:s4] =	stream.indirect.scatter.add.f32 [tilespmem:s24], [sflag:$0x5], $0x8, s17, s28, $0xb8;
	[tilespmem:$0x1E4D8] =	vst v63  }
0x55: {  	_ = 	snop  }
0x56: {  	[spmem:s4] =	stream.indirect.scatter.add.f32 [tilespmem:s25], [sflag:$0x5], $0x8, s22, s28, $0xb8;
	[tilespmem:$0x1E4D8] =	vst v63  }
0x57: {  	_ =	swait.ge [sflag:s11], $0x1F40  }
0x58: {  	[sflag:s11] =	ssyncset.done $0x0  }
0x59: {  	[sflag:s11] =	ssyncadd.s32 $0xFFFFE0C0  }
0x5a: {  	_ =	swait.ge [sflag:s12], $0x1F40  }
0x5b: {  	[sflag:s12] =	ssyncset.done $0x0  }
0x5c: {  	[sflag:s12] =	ssyncadd.s32 $0xFFFFE0C0  }
0x5d: {  	[spmem:s1] =	stream.indirect.scatter.add.f32 [tilespmem:s31], [sflag:$0x6], $0x40, s9, s28, $0xb8;
	[tilespmem:$0x1E4D8] =	vst v63  }
0x5e: {  	_ = 	snop  }
0x5f: {  	[spmem:s2] =	stream.indirect.scatter.add.f32 [tilespmem:s0], [sflag:$0x6], $0x40, s8, s28, $0xb8;
	[tilespmem:$0x1E4D8] =	vst v63  }
0x60: {  	_ = 	snop  }
0x61: {  	[spmem:s4] =	stream.indirect.scatter.add.f32 [tilespmem:s24], [sflag:$0x6], $0x8, s9, s28, $0xb8;
	[tilespmem:$0x1E4D8] =	vst v63  }
0x62: {  	_ = 	snop  }
0x63: {  	[spmem:s4] =	stream.indirect.scatter.add.f32 [tilespmem:s25], [sflag:$0x6], $0x8, s8, s28, $0xb8;
	[tilespmem:$0x1E4D8] =	vst v63  }
0x64: {  	_ =	swait.ge [sflag:s14], $0x1F40  }
0x65: {  	[sflag:s14] =	ssyncset.done $0x0  }
0x66: {  	[sflag:s14] =	ssyncadd.s32 $0xFFFFE0C0  }
0x67: {  	_ =	swait.ge [sflag:s14], $0x1F40  }
0x68: {  	[sflag:s14] =	ssyncset.done $0x0  }
0x69: {  	[sflag:s14] =	ssyncadd.s32 $0xFFFFE0C0  }
0x6a: {  	_ =	swait.ge [sflag:s14], $0x3E8  }
0x6b: {  	[sflag:s14] =	ssyncset.done $0x0  }
0x6c: {  	[sflag:s14] =	ssyncadd.s32 $0xFFFFFC18  }
0x6d: {  	_ =	swait.ge [sflag:s14], $0x3E8  }
0x6e: {  	[sflag:s14] =	ssyncset.done $0x0  }
0x6f: {  	s21 =	simm.s32 $0x100;
	[sflag:s14] =	ssyncadd.s32 $0xFFFFFC18  }
0x70: {  	[tilespmem:s29], [sflag:$0x1] =	stream.indirect.gather [hbm4b:s6+s28], $0x40, s21, s28, $0xb8;
	[tilespmem:$0x1E4D8] =	vst v63  }
0x71: {  	s22 =	simm.s32 $0xB00  }
0x72: {  	[tilespmem:s30], [sflag:$0x2] =	stream.indirect.gather [hbm4b:s7+s28], $0x40, s22, s28, $0xb8;
	[tilespmem:$0x1E4D8] =	vst v63  }
0x73: {  	_ =	swait.ge [sflag:s15], $0x1F40  }
0x74: {  	[sflag:s15] =	ssyncset.done $0x0  }
0x75: {  	[sflag:s15] =	ssyncadd.s32 $0xFFFFE0C0  }
0x76: {  	_ =	swait.ge [sflag:s15], $0x1F40  }
0x77: {  	[sflag:s15] =	ssyncset.done $0x0  }
0x78: {  	[sflag:s15] =	ssyncadd.s32 $0xFFFFE0C0  }
0x79: {  	_ =	swait.ge [sflag:s15], $0x3E8  }
0x7a: {  	[sflag:s15] =	ssyncset.done $0x0  }
0x7b: {  	[sflag:s15] =	ssyncadd.s32 $0xFFFFFC18  }
0x7c: {  	_ =	swait.ge [sflag:s15], $0x3E8  }
0x7d: {  	s13 =	simm.s32 $0x800;
	s22 =	simm.s32 $0x100;
	[sflag:s15] =	ssyncset.done $0x0  }
.LBB2_3:
0x7e: {  	s9 =	sadd.s32 $0x80, s22  }
0x7f: {  	[sflag:s15] =	ssyncadd.s32 $0xFFFFFC18;
	s21 =	smov.u32 s13;
	s8 =	sadd.s32 $0x400, s13  }
0x80: {  	[tilespmem:s31], [sflag:$0x3] =	stream.indirect.gather [hbm4b:s6+s28], $0x40, s9, s28, $0xb8;
	[tilespmem:$0x1E4D8] =	vst v63  }
0x81: {  	p0 =	sne.s32 s13, $0x2000;
	s13 =	sadd.s32 $0xA80, s22  }
0x82: {  	[tilespmem:s0], [sflag:$0x4] =	stream.indirect.gather [hbm4b:s7+s28], $0x40, s13, s28, $0xb8;
	[tilespmem:$0x1E4D8] =	vst v63  }
0x83: {  	_ =	swait.ge [sflag:s3], $0x1F40  }
0x84: {  	[sflag:s3] =	ssyncset.done $0x0  }
0x85: {  	[sflag:s3] =	ssyncadd.s32 $0xFFFFE0C0  }
0x86: {  	_ =	swait.ge [sflag:s5], $0x1F40  }
0x87: {  	[sflag:s5] =	ssyncset.done $0x0  }
0x88: {  	s17 =	sadd.s32 $0xA00, s22;
	[sflag:s5] =	ssyncadd.s32 $0xFFFFE0C0  }
0x89: {  	[spmem:s1] =	stream.indirect.scatter.add.f32 [tilespmem:s29], [sflag:$0x5], $0x40, s17, s28, $0xb8;
	[tilespmem:$0x1E4D8] =	vst v63  }
0x8a: {  	_ = 	snop  }
0x8b: {  	[spmem:s2] =	stream.indirect.scatter.add.f32 [tilespmem:s30], [sflag:$0x5], $0x40, s22, s28, $0xb8;
	[tilespmem:$0x1E4D8] =	vst v63  }
0x8c: {  	_ = 	snop  }
0x8d: {  	[spmem:s4] =	stream.indirect.scatter.add.f32 [tilespmem:s24], [sflag:$0x5], $0x8, s17, s28, $0xb8;
	[tilespmem:$0x1E4D8] =	vst v63  }
0x8e: {  	_ = 	snop  }
0x8f: {  	[spmem:s4] =	stream.indirect.scatter.add.f32 [tilespmem:s25], [sflag:$0x5], $0x8, s22, s28, $0xb8;
	[tilespmem:$0x1E4D8] =	vst v63  }
0x90: {  	_ =	swait.ge [sflag:s11], $0x1F40  }
0x91: {  	[sflag:s11] =	ssyncset.done $0x0  }
0x92: {  	[sflag:s11] =	ssyncadd.s32 $0xFFFFE0C0  }
0x93: {  	_ =	swait.ge [sflag:s12], $0x1F40  }
0x94: {  	[sflag:s12] =	ssyncset.done $0x0  }
0x95: {  	[sflag:s12] =	ssyncadd.s32 $0xFFFFE0C0  }
0x96: {  	[spmem:s1] =	stream.indirect.scatter.add.f32 [tilespmem:s31], [sflag:$0x6], $0x40, s13, s28, $0xb8;
	[tilespmem:$0x1E4D8] =	vst v63  }
0x97: {  	_ = 	snop  }
0x98: {  	[spmem:s2] =	stream.indirect.scatter.add.f32 [tilespmem:s0], [sflag:$0x6], $0x40, s9, s28, $0xb8;
	[tilespmem:$0x1E4D8] =	vst v63  }
0x99: {  	_ = 	snop  }
0x9a: {  	[spmem:s4] =	stream.indirect.scatter.add.f32 [tilespmem:s24], [sflag:$0x6], $0x8, s13, s28, $0xb8;
	[tilespmem:$0x1E4D8] =	vst v63  }
0x9b: {  	_ = 	snop  }
0x9c: {  	[spmem:s4] =	stream.indirect.scatter.add.f32 [tilespmem:s25], [sflag:$0x6], $0x8, s9, s28, $0xb8;
	[tilespmem:$0x1E4D8] =	vst v63  }
0x9d: {  	_ =	swait.ge [sflag:s14], $0x1F40  }
0x9e: {  	[sflag:s14] =	ssyncset.done $0x0  }
0x9f: {  	[sflag:s14] =	ssyncadd.s32 $0xFFFFE0C0  }
0xa0: {  	_ =	swait.ge [sflag:s14], $0x1F40  }
0xa1: {  	[sflag:s14] =	ssyncset.done $0x0  }
0xa2: {  	[sflag:s14] =	ssyncadd.s32 $0xFFFFE0C0  }
0xa3: {  	_ =	swait.ge [sflag:s14], $0x3E8  }
0xa4: {  	[sflag:s14] =	ssyncset.done $0x0  }
0xa5: {  	[sflag:s14] =	ssyncadd.s32 $0xFFFFFC18  }
0xa6: {  	_ =	swait.ge [sflag:s14], $0x3E8  }
0xa7: {  	[sflag:s14] =	ssyncset.done $0x0  }
0xa8: {  	s9 =	sadd.s32 $0x100, s22;
	[sflag:s14] =	ssyncadd.s32 $0xFFFFFC18  }
0xa9: {  	[tilespmem:s29], [sflag:$0x1] =	stream.indirect.gather [hbm4b:s6+s28], $0x40, s9, s28, $0xb8;
	[tilespmem:$0x1E4D8] =	vst v63  }
0xaa: {  	s9 =	sadd.s32 $0xB00, s22  }
0xab: {  	[tilespmem:s30], [sflag:$0x2] =	stream.indirect.gather [hbm4b:s7+s28], $0x40, s9, s28, $0xb8;
	[tilespmem:$0x1E4D8] =	vst v63  }
0xac: {  	_ =	swait.ge [sflag:s15], $0x1F40  }
0xad: {  	[sflag:s15] =	ssyncset.done $0x0  }
0xae: {  	[sflag:s15] =	ssyncadd.s32 $0xFFFFE0C0  }
0xaf: {  	_ =	swait.ge [sflag:s15], $0x1F40  }
0xb0: {  	[sflag:s15] =	ssyncset.done $0x0  }
0xb1: {  	[sflag:s15] =	ssyncadd.s32 $0xFFFFE0C0  }
.Ltmp0:
0xb2: {  	_ =	swait.ge [sflag:s15], $0x3E8;
	(pc) =	sbr.rel @p0 .LBB2_3-.Ltmp0, $4  }
0xb3: {  	[sflag:s15] =	ssyncset.done $0x0  }
0xb4: {  	[sflag:s15] =	ssyncadd.s32 $0xFFFFFC18  }
0xb5: {  	_ =	swait.ge [sflag:s15], $0x3E8  }
0xb6: {  	s13 =	smov.u32 s8;
	s22 =	sshra.s32 s21, $0x2;
	[sflag:s15] =	ssyncset.done $0x0  }
0xb7: {  	s8 =	sadd.s32 $0x80, s22;
	[sflag:s15] =	ssyncadd.s32 $0xFFFFFC18  }
0xb8: {  	[tilespmem:s31], [sflag:$0x3] =	stream.indirect.gather [hbm4b:s6+s28], $0x40, s8, s28, $0xb8;
	[tilespmem:$0x1E4D8] =	vst v63  }
0xb9: {  	s9 =	sadd.s32 $0xA80, s22  }
0xba: {  	[tilespmem:s0], [sflag:$0x4] =	stream.indirect.gather [hbm4b:s7+s28], $0x40, s9, s28, $0xb8;
	[tilespmem:$0x1E4D8] =	vst v63  }
0xbb: {  	_ =	swait.ge [sflag:s3], $0x1F40  }
0xbc: {  	[sflag:s3] =	ssyncset.done $0x0  }
0xbd: {  	[sflag:s3] =	ssyncadd.s32 $0xFFFFE0C0  }
0xbe: {  	_ =	swait.ge [sflag:s5], $0x1F40  }
0xbf: {  	[sflag:s5] =	ssyncset.done $0x0  }
0xc0: {  	s13 =	sadd.s32 $0xA00, s22;
	[sflag:s5] =	ssyncadd.s32 $0xFFFFE0C0  }
0xc1: {  	[spmem:s1] =	stream.indirect.scatter.add.f32 [tilespmem:s29], [sflag:$0x5], $0x40, s13, s28, $0xb8;
	[tilespmem:$0x1E4D8] =	vst v63  }
0xc2: {  	_ = 	snop  }
0xc3: {  	[spmem:s2] =	stream.indirect.scatter.add.f32 [tilespmem:s30], [sflag:$0x5], $0x40, s22, s28, $0xb8;
	[tilespmem:$0x1E4D8] =	vst v63  }
0xc4: {  	_ = 	snop  }
0xc5: {  	[spmem:s4] =	stream.indirect.scatter.add.f32 [tilespmem:s24], [sflag:$0x5], $0x8, s13, s28, $0xb8;
	[tilespmem:$0x1E4D8] =	vst v63  }
0xc6: {  	_ = 	snop  }
0xc7: {  	[spmem:s4] =	stream.indirect.scatter.add.f32 [tilespmem:s25], [sflag:$0x5], $0x8, s22, s28, $0xb8;
	[tilespmem:$0x1E4D8] =	vst v63  }
0xc8: {  	_ =	swait.ge [sflag:s11], $0x1F40  }
0xc9: {  	[sflag:s11] =	ssyncset.done $0x0  }
0xca: {  	[sflag:s11] =	ssyncadd.s32 $0xFFFFE0C0  }
0xcb: {  	_ =	swait.ge [sflag:s12], $0x1F40  }
0xcc: {  	[sflag:s12] =	ssyncset.done $0x0  }
0xcd: {  	[sflag:s12] =	ssyncadd.s32 $0xFFFFE0C0  }
0xce: {  	[spmem:s1] =	stream.indirect.scatter.add.f32 [tilespmem:s31], [sflag:$0x6], $0x40, s9, s28, $0xb8;
	[tilespmem:$0x1E4D8] =	vst v63  }
0xcf: {  	_ = 	snop  }
0xd0: {  	[spmem:s2] =	stream.indirect.scatter.add.f32 [tilespmem:s0], [sflag:$0x6], $0x40, s8, s28, $0xb8;
	[tilespmem:$0x1E4D8] =	vst v63  }
0xd1: {  	_ = 	snop  }
0xd2: {  	[spmem:s4] =	stream.indirect.scatter.add.f32 [tilespmem:s24], [sflag:$0x6], $0x8, s9, s28, $0xb8;
	[tilespmem:$0x1E4D8] =	vst v63  }
0xd3: {  	_ = 	snop  }
0xd4: {  	[spmem:s4] =	stream.indirect.scatter.add.f32 [tilespmem:s25], [sflag:$0x6], $0x8, s8, s28, $0xb8;
	[tilespmem:$0x1E4D8] =	vst v63  }
0xd5: {  	_ =	swait.ge [sflag:s14], $0x1F40  }
0xd6: {  	[sflag:s14] =	ssyncset.done $0x0  }
0xd7: {  	[sflag:s14] =	ssyncadd.s32 $0xFFFFE0C0  }
0xd8: {  	_ =	swait.ge [sflag:s14], $0x1F40  }
0xd9: {  	[sflag:s14] =	ssyncset.done $0x0  }
0xda: {  	[sflag:s14] =	ssyncadd.s32 $0xFFFFE0C0  }
0xdb: {  	_ =	swait.ge [sflag:s14], $0x3E8  }
0xdc: {  	[sflag:s14] =	ssyncset.done $0x0  }
0xdd: {  	[sflag:s14] =	ssyncadd.s32 $0xFFFFFC18  }
0xde: {  	_ =	swait.ge [sflag:s14], $0x3E8  }
0xdf: {  	[sflag:s14] =	ssyncset.done $0x0  }
0xe0: {  	s21 =	sadd.s32 $0x100, s22;
	[sflag:s14] =	ssyncadd.s32 $0xFFFFFC18  }
0xe1: {  	[tilespmem:s29], [sflag:$0x1] =	stream.indirect.gather [hbm4b:s6+s28], $0x40, s21, s28, $0xb8;
	[tilespmem:$0x1E4D8] =	vst v63  }
0xe2: {  	s22 =	sadd.s32 $0xB00, s22  }
0xe3: {  	[tilespmem:s30], [sflag:$0x2] =	stream.indirect.gather [hbm4b:s7+s28], $0x40, s22, s28, $0xb8;
	[tilespmem:$0x1E4D8] =	vst v63  }
0xe4: {  	_ =	swait.ge [sflag:s15], $0x1F40  }
0xe5: {  	[sflag:s15] =	ssyncset.done $0x0  }
0xe6: {  	[sflag:s15] =	ssyncadd.s32 $0xFFFFE0C0  }
0xe7: {  	_ =	swait.ge [sflag:s15], $0x1F40  }
0xe8: {  	[sflag:s15] =	ssyncset.done $0x0  }
0xe9: {  	[sflag:s15] =	ssyncadd.s32 $0xFFFFE0C0  }
0xea: {  	_ =	swait.ge [sflag:s15], $0x3E8  }
0xeb: {  	[sflag:s15] =	ssyncset.done $0x0  }
0xec: {  	[sflag:s15] =	ssyncadd.s32 $0xFFFFFC18  }
0xed: {  	_ =	swait.ge [sflag:s15], $0x3E8  }
0xee: {  	[sflag:s15] =	ssyncset.done $0x0  }
0xef: {  	[sflag:s15] =	ssyncadd.s32 $0xFFFFFC18  }
0xf0: {  	[tilespmem:s31], [sflag:$0x3] =	stream.indirect.gather [hbm4b:s6+s28], $0x40, s16, s28, $0xb8;
	[tilespmem:$0x1E4D8] =	vst v63  }
0xf1: {  	_ = 	snop  }
0xf2: {  	[tilespmem:s0], [sflag:$0x4] =	stream.indirect.gather [hbm4b:s7+s28], $0x40, s18, s28, $0xb8;
	[tilespmem:$0x1E4D8] =	vst v63  }
0xf3: {  	_ =	swait.ge [sflag:s3], $0x1F40  }
0xf4: {  	[sflag:s3] =	ssyncset.done $0x0  }
0xf5: {  	[sflag:s3] =	ssyncadd.s32 $0xFFFFE0C0  }
0xf6: {  	_ =	swait.ge [sflag:s5], $0x1F40  }
0xf7: {  	[sflag:s5] =	ssyncset.done $0x0  }
0xf8: {  	[sflag:s5] =	ssyncadd.s32 $0xFFFFE0C0  }
0xf9: {  	[spmem:s1] =	stream.indirect.scatter.add.f32 [tilespmem:s29], [sflag:$0x5], $0x40, s19, s28, $0xb8;
	[tilespmem:$0x1E4D8] =	vst v63  }
0xfa: {  	_ = 	snop  }
0xfb: {  	[spmem:s2] =	stream.indirect.scatter.add.f32 [tilespmem:s30], [sflag:$0x5], $0x40, s20, s28, $0xb8;
	[tilespmem:$0x1E4D8] =	vst v63  }
0xfc: {  	_ = 	snop  }
0xfd: {  	[spmem:s4] =	stream.indirect.scatter.add.f32 [tilespmem:s24], [sflag:$0x5], $0x8, s19, s28, $0xb8;
	[tilespmem:$0x1E4D8] =	vst v63  }
0xfe: {  	_ = 	snop  }
0xff: {  	[spmem:s4] =	stream.indirect.scatter.add.f32 [tilespmem:s25], [sflag:$0x5], $0x8, s20, s28, $0xb8;
	[tilespmem:$0x1E4D8] =	vst v63  }
0x100: {  	_ =	swait.ge [sflag:s11], $0x1F40  }
0x101: {  	[sflag:s11] =	ssyncset.done $0x0  }
0x102: {  	[sflag:s11] =	ssyncadd.s32 $0xFFFFE0C0  }
0x103: {  	_ =	swait.ge [sflag:s12], $0x1F40  }
0x104: {  	[sflag:s12] =	ssyncset.done $0x0  }
0x105: {  	[sflag:s12] =	ssyncadd.s32 $0xFFFFE0C0  }
0x106: {  	[spmem:s1] =	stream.indirect.scatter.add.f32 [tilespmem:s31], [sflag:$0x6], $0x40, s18, s28, $0xb8;
	[tilespmem:$0x1E4D8] =	vst v63  }
0x107: {  	_ = 	snop  }
0x108: {  	[spmem:s2] =	stream.indirect.scatter.add.f32 [tilespmem:s0], [sflag:$0x6], $0x40, s16, s28, $0xb8;
	[tilespmem:$0x1E4D8] =	vst v63  }
0x109: {  	_ = 	snop  }
0x10a: {  	[spmem:s4] =	stream.indirect.scatter.add.f32 [tilespmem:s24], [sflag:$0x6], $0x8, s18, s28, $0xb8;
	[tilespmem:$0x1E4D8] =	vst v63  }
0x10b: {  	_ = 	snop  }
0x10c: {  	[spmem:s4] =	stream.indirect.scatter.add.f32 [tilespmem:s25], [sflag:$0x6], $0x8, s16, s28, $0xb8;
	[tilespmem:$0x1E4D8] =	vst v63  }
0x10d: {  	_ =	swait.ge [sflag:s14], $0x1F40  }
0x10e: {  	[sflag:s14] =	ssyncset.done $0x0  }
0x10f: {  	[sflag:s14] =	ssyncadd.s32 $0xFFFFE0C0  }
0x110: {  	_ =	swait.ge [sflag:s14], $0x1F40  }
0x111: {  	[sflag:s14] =	ssyncset.done $0x0  }
0x112: {  	[sflag:s14] =	ssyncadd.s32 $0xFFFFE0C0  }
0x113: {  	_ =	swait.ge [sflag:s14], $0x3E8  }
0x114: {  	[sflag:s14] =	ssyncset.done $0x0  }
0x115: {  	[sflag:s14] =	ssyncadd.s32 $0xFFFFFC18  }
0x116: {  	_ =	swait.ge [sflag:s14], $0x3E8  }
0x117: {  	[sflag:s14] =	ssyncset.done $0x0  }
0x118: {  	[sflag:s14] =	ssyncadd.s32 $0xFFFFFC18  }
0x119: {  	_ =	swait.ge [sflag:s15], $0x1F40  }
0x11a: {  	[sflag:s15] =	ssyncset.done $0x0  }
0x11b: {  	[sflag:s15] =	ssyncadd.s32 $0xFFFFE0C0  }
0x11c: {  	_ =	swait.ge [sflag:s15], $0x1F40  }
0x11d: {  	[sflag:s15] =	ssyncset.done $0x0  }
0x11e: {  	s10 =	sadd.s32 $0x1, s10;
	[sflag:s15] =	ssyncadd.s32 $0xFFFFE0C0  }
0x11f: {  	p0 =	sne.s32 s10, $0x4;
	_ =	swait.ge [sflag:s15], $0x3E8  }
.Ltmp1:
0x120: {  	[sflag:s15] =	ssyncset.done $0x0;
	(pc) =	sbr.rel @p0 .LBB2_2-.Ltmp1, $4  }
0x121: {  	[sflag:s15] =	ssyncadd.s32 $0xFFFFFC18  }
0x122: {  	_ =	swait.ge [sflag:s15], $0x3E8  }
0x123: {  	[sflag:s15] =	ssyncset.done $0x0  }
0x124: {  	[sflag:s15] =	ssyncadd.s32 $0xFFFFFC18  }
0x125: {  	[bflag:$0x0] =	sbarrier.arrive $0xFFFF  }
0x126: {  	s9 =	rddreg [dreg:$0xa]  }
0x127: {  	s8 =	rddreg [dreg:$0xf]  }
0x128: {  	s10 =	rddreg [dreg:$0x13]  }
0x129: {  	[hbm:s8], [sflag:s9] =	dma.local [spmem:s10], $0x1388  }
0x12a: {  	_ =	swait.ge [sflag:s23], $0x1388  }
0x12b: {  	[sflag:s23] =	ssyncset.done $0x0;
	s22 =	rddreg [dreg:$0x10]  }
0x12c: {  	s13 =	rddreg [dreg:$0x15];
	[sflag:s23] =	ssyncadd.s32 $0xFFFFEC78  }
0x12d: {  	[hbm:s22], [sflag:s9] =	dma.local [spmem:s13], $0x1388  }
0x12e: {  	_ =	swait.ge [sflag:s23], $0x1388  }
0x12f: {  	[sflag:s23] =	ssyncset.done $0x0;
	s13 =	rddreg [dreg:$0x11]  }
0x130: {  	s17 =	rddreg [dreg:$0x16];
	[sflag:s23] =	ssyncadd.s32 $0xFFFFEC78  }
0x131: {  	[hbm:s13], [sflag:s9] =	dma.local [spmem:s17], $0x271  }
0x132: {  	_ =	swait.ge [sflag:s23], $0x271  }
0x133: {  	s21 =	rddreg [dreg:$0x14]  }
0x134: {  	s22 =	rddreg [dreg:$0x12];
	s13 =	sadd.s32 $0x1, s21  }
0x135: {  	p0 =	sne.s32 s13, s22  }
.Ltmp2:
0x136: {  	_ = 	snop;
	(pc) =	sbr.rel @p0 .LBB2_1-.Ltmp2, $3  }
0x137: {  	_ =	sdelay $0x1  }
0x138: {  	[sflag:s23] =	ssyncset.done $0x0  }
0x139: {  	[sflag:s23] =	ssyncadd.s32 $0xFFFFFD8F  }
0x13a: {  	_ =	sfence.sel $0x180000  }
0x13b: {  	[bflag:$0x0] =	sbarrier.arrive $0xFFFF  }
0x13c: {  	_ =	strace $0x90000047  }
0x13d: {  	s0 =	stileid.u32;
	[bflag:$0x2] =	sbarrier.arrive $0xFFFF  }
0x13e: {  	p0 =	sne.s32 s0, $0x0;
	s0 =	rddreg [dreg:$0x4]  }
0x13f: {  	s0 =	sadd.s32 @!p0 $0x100000, s0  }
0x140: {  	[sflag:s0] =	ssyncadd.tile.s32 @!p0 $0x1;
	_ =	shalt  }
.Lfunc_end2:
_tile_overlayer_lowered:
.L_overlay_start_2:
0x141: {  	(tag) =	ssettag $0x2  }
0x142: {  	s0 =	rddreg [dreg:$0x0];
	s2 =	stileid.u32  }
0x143: {  	s1 =	rddreg [dreg:$0x1];
	p0 =	sne.s32 s2, $0x0  }
0x144: {  	s3 =	rddreg [dreg:$0x2];
	[bflag:$0x3] =	sbarrier.arrive $0xFFFF;
	s2 =	simm.s32 @!p0 $0x1C07  }
0x145: {  	[timem:s3], [sflag:s2] =	dma.local @!p0 [hbm:s0], s1  }
0x146: {  	s0 =	simm.s32 @!p0 $0x7  }
0x147: {  	_ =	swait.ge @!p0 [sflag:s0], s1  }
0x148: {  	s1 =	ssub.s32 @!p0 $0x0, s1;
	[sflag:s0] =	ssyncset.done @!p0 $0x0  }
0x149: {  	[sflag:s0] =	ssyncadd.s32 @!p0 s1  }
0x14a: {  	[bflag:$0x3] =	sbarrier.arrive $0xFFFF  }
0x14b: {  	_ =	shalt  }

</sc_bundles>
